<compile_context>
chip_gen: v7x
topology: tpu7x:2x2x1
jax: 0.10.2.dev20260603
libtpu: 0.0.44.dev20260713+nightly
codegen_flags: <defaults>
</compile_context>

<pallas_src>
import functools

import jax
import jax.numpy as jnp
from jax import lax
from jax.experimental import pallas as pl
from jax.experimental.pallas import tpu as pltpu
from jax.experimental.pallas import tpu_sc as plsc

BATCH = 16384
HIDDEN = 128
CHUNK = 64


@functools.cache
def _build_gather():
    info = plsc.get_sparse_core_info()
    num_workers = info.num_cores * info.num_subcores
    b_per_w = BATCH // num_workers
    n_chunks = b_per_w // CHUNK

    mesh = plsc.VectorSubcoreMesh(core_axis_name="c", subcore_axis_name="s")

    @functools.partial(
        pl.kernel,
        mesh=mesh,
        out_type=jax.ShapeDtypeStruct((BATCH, HIDDEN), jnp.float32),
        scratch_types=[
            pltpu.VMEM((n_chunks, CHUNK), jnp.int32),
            pltpu.VMEM((b_per_w, HIDDEN), jnp.float32),
            pltpu.VMEM_SHARED((1001, HIDDEN), jnp.float32),
            pltpu.SemaphoreType.DMA,
            pltpu.SemaphoreType.DMA,
        ],
    )
    def gather_kernel(labels_hbm, table_hbm, out_hbm, idx_v, rows_v, tbl_s, gsem, ssem):
        sid = lax.axis_index("s")
        wid = sid * info.num_cores + lax.axis_index("c")
        base = wid * b_per_w
        pltpu.sync_copy(labels_hbm.at[wid], idx_v)
        for t, (lo, n) in enumerate(((0, 256), (256, 256), (512, 256), (768, 233))):
            @pl.when(sid == t)
            def _stage(lo=lo, n=n):
                pltpu.sync_copy(
                    table_hbm.at[pl.ds(lo, n)],
                    tbl_s.at[pl.ds(lo, n)],
                )
        plsc.subcore_barrier()
        gathers = [
            pltpu.async_copy(
                tbl_s.at[idx_v.at[j]],
                rows_v.at[pl.ds(j * CHUNK, CHUNK)],
                gsem,
            )
            for j in range(n_chunks)
        ]
        scatters = []
        for j in range(n_chunks):
            gathers[j].wait()
            scatters.append(
                pltpu.async_copy(
                    rows_v.at[pl.ds(j * CHUNK, CHUNK)],
                    out_hbm.at[pl.ds(base + j * CHUNK, CHUNK)],
                    ssem,
                )
            )
        for s in scatters:
            s.wait()

    return gather_kernel, num_workers, n_chunks


def kernel(labels, embedding_table, train=False):
    del train
    gather_kernel, num_workers, n_chunks = _build_gather()
    labels3 = labels.astype(jnp.int32).reshape(num_workers, n_chunks, CHUNK)
    return gather_kernel(labels3, embedding_table)

# --- scband reference (transcript-rebuilt; emitter-appended) ---
"""Pipeline reference for scband-label-embedder-3891240370794 (READ-ONLY COPY).

The authoritative reference and input builder live on the scoring server;
editing this copy changes nothing except your own understanding.
"""

import jax, jax.numpy as jnp
import numpy as np

BATCH = 16384
NUM_CLASSES = 1000
HIDDEN = 128

def setup_inputs(seed: int = 0) -> dict:
    key = jax.random.key(seed)
    k_lab, k_tbl = jax.random.split(key)
    labels = jax.random.randint(k_lab, (BATCH,), 0, NUM_CLASSES, dtype=jnp.int64 if jax.config.read('jax_enable_x64') else jnp.int32)
    # nn.Embed(num_classes + 1, hidden_size, embedding_init=normal(0.02))
    embedding_table = jax.random.normal(k_tbl, (NUM_CLASSES + 1, HIDDEN), dtype=jnp.float32) * 0.02
    return {"labels": labels, "embedding_table": embedding_table, "train": False}

def reference(labels, embedding_table, train=False):
    # dropout_prob = 0.1 > 0, but train=False and force_drop_ids=None -> no token_drop.
    # (Label dropout via self.make_rng is stochastic RNG, skipped in eval mode, matching train=False.)
    embeddings = jnp.take(embedding_table, labels, axis=0)
    return embeddings

if False:  # reference __main__ guard neutralized (emitter)
    inp = setup_inputs()
    out = reference(**inp)
    print(out.shape, out.dtype)

if __name__ == "__main__":
    import jax
    _d = setup_inputs()
    print(jax.jit(kernel)(*tuple(_d.values())))

</pallas_src>

<mosaic_0001>
#map = affine_map<(d0, d1) -> (0, 0, 0)>
#map1 = affine_map<(d0, d1) -> (0, 0)>
module attributes {stable_mosaic.version = 14 : i64} {
  func.func @gather_kernel(%arg0: i32, %arg1: i32, %arg2: memref<32x8x64xi32, #tpu.memory_space<hbm>>, %arg3: memref<1001x128xf32, #tpu.memory_space<hbm>>, %arg4: memref<16384x128xf32, #tpu.memory_space<hbm>>, %arg5: memref<8x64xi32, #tpu.memory_space<vmem>>, %arg6: memref<512x128xf32, #tpu.memory_space<vmem>>, %arg7: memref<1001x128xf32, #tpu.memory_space<vmem_shared>>, %arg8: memref<!tpu.dma_semaphore, #tpu.memory_space<semaphore_mem>>, %arg9: memref<!tpu.dma_semaphore, #tpu.memory_space<semaphore_mem>>) attributes {dimension_semantics = [#tpu.dimension_semantics<core_parallel>, #tpu.dimension_semantics<subcore_parallel>], iteration_bounds = array<i64: 2, 16>, scalar_prefetch = 0 : i64, scratch_operands = 5 : i64, tpu.core_type = #tpu.core_type<sc_vector_subcore>, window_params = [{transform_indices = #map}, {transform_indices = #map1}, {transform_indices = #map1}]} {
    %mul3A = arith.constant 2 : i32
    %mul3A_0 = arith.muli %arg1, %mul3A : i32
    %add3A = arith.addi %mul3A_0, %arg0 : i32
    %mul3A_1 = arith.constant 512 : i32
    %mul3A_2 = arith.muli %add3A, %mul3A_1 : i32
    "tpu.region"() ({
      %run_scoped3A = tpu.sem_alloc : memref<!tpu.dma_semaphore, #tpu.memory_space<semaphore_mem>>
      %dma_start3A_354 = arith.constant 0 : i32
      %dma_start3A_355 = arith.constant 0 : i32
      %dma_start3A_356 = tpu.memref_slice %arg2[%add3A, %dma_start3A_354, %dma_start3A_355] : memref<32x8x64xi32, #tpu.memory_space<hbm>> -> memref<1x8x64xi32, #tpu.memory_space<hbm>>
      %dma_start3A_357 = tpu.memref_squeeze %dma_start3A_356 : memref<1x8x64xi32, #tpu.memory_space<hbm>> -> memref<8x64xi32, #tpu.memory_space<hbm>>
      %dma_start3A_358 = arith.constant 0 : i32
      %dma_start3A_359 = arith.constant 0 : i32
      %dma_start3A_360 = tpu.memref_slice %arg2[%add3A, %dma_start3A_358, %dma_start3A_359] : memref<32x8x64xi32, #tpu.memory_space<hbm>> -> memref<1x8x64xi32, #tpu.memory_space<hbm>>
      %dma_start3A_361 = tpu.memref_squeeze %dma_start3A_360 : memref<1x8x64xi32, #tpu.memory_space<hbm>> -> memref<8x64xi32, #tpu.memory_space<hbm>>
      tpu.enqueue_dma source(%dma_start3A_361 : memref<8x64xi32, #tpu.memory_space<hbm>>) target(%arg5 : memref<8x64xi32, #tpu.memory_space<vmem>>) target_semaphore(%run_scoped3A : memref<!tpu.dma_semaphore, #tpu.memory_space<semaphore_mem>>)
      %dma_wait3A_362 = arith.constant 0 : i32
      %dma_wait3A_363 = arith.constant 0 : i32
      %dma_wait3A_364 = tpu.memref_slice %arg2[%add3A, %dma_wait3A_362, %dma_wait3A_363] : memref<32x8x64xi32, #tpu.memory_space<hbm>> -> memref<1x8x64xi32, #tpu.memory_space<hbm>>
      %dma_wait3A_365 = tpu.memref_squeeze %dma_wait3A_364 : memref<1x8x64xi32, #tpu.memory_space<hbm>> -> memref<8x64xi32, #tpu.memory_space<hbm>>
      %dma_wait3A_366 = arith.constant 0 : i32
      %dma_wait3A_367 = arith.constant 0 : i32
      %dma_wait3A_368 = tpu.memref_slice %arg2[%add3A, %dma_wait3A_366, %dma_wait3A_367] : memref<32x8x64xi32, #tpu.memory_space<hbm>> -> memref<1x8x64xi32, #tpu.memory_space<hbm>>
      %dma_wait3A_369 = tpu.memref_squeeze %dma_wait3A_368 : memref<1x8x64xi32, #tpu.memory_space<hbm>> -> memref<8x64xi32, #tpu.memory_space<hbm>>
      tpu.wait_dma2 semaphore(%run_scoped3A : memref<!tpu.dma_semaphore, #tpu.memory_space<semaphore_mem>>) src(%dma_wait3A_369 : memref<8x64xi32, #tpu.memory_space<hbm>>) dst(%arg5 : memref<8x64xi32, #tpu.memory_space<vmem>>)
      tpu.yield
    }) : () -> ()
    %eq3A = arith.constant 0 : i32
    %eq3A_3 = arith.cmpi eq, %arg1, %eq3A : i32
    %convert_element_type3A = arith.extui %eq3A_3 : i1 to i32
    %cond3A = arith.constant 0 : i32
    %cond3A_4 = arith.cmpi ne, %convert_element_type3A, %cond3A : i32
    scf.if %cond3A_4 {
      "tpu.region"() ({
        %run_scoped3A = tpu.sem_alloc : memref<!tpu.dma_semaphore, #tpu.memory_space<semaphore_mem>>
        %dma_start3A_354 = arith.constant 0 : i32
        %dma_start3A_355 = arith.constant 0 : i32
        %dma_start3A_356 = tpu.memref_slice %arg7[%dma_start3A_354, %dma_start3A_355] : memref<1001x128xf32, #tpu.memory_space<vmem_shared>> -> memref<256x128xf32, #tpu.memory_space<vmem_shared>>
        %dma_start3A_357 = arith.constant 0 : i32
        %dma_start3A_358 = arith.constant 0 : i32
        %dma_start3A_359 = tpu.memref_slice %arg3[%dma_start3A_357, %dma_start3A_358] : memref<1001x128xf32, #tpu.memory_space<hbm>> -> memref<256x128xf32, #tpu.memory_space<hbm>>
        tpu.enqueue_dma source(%dma_start3A_359 : memref<256x128xf32, #tpu.memory_space<hbm>>) target(%dma_start3A_356 : memref<256x128xf32, #tpu.memory_space<vmem_shared>>) target_semaphore(%run_scoped3A : memref<!tpu.dma_semaphore, #tpu.memory_space<semaphore_mem>>)
        %dma_wait3A_360 = arith.constant 0 : i32
        %dma_wait3A_361 = arith.constant 0 : i32
        %dma_wait3A_362 = tpu.memref_slice %arg7[%dma_wait3A_360, %dma_wait3A_361] : memref<1001x128xf32, #tpu.memory_space<vmem_shared>> -> memref<256x128xf32, #tpu.memory_space<vmem_shared>>
        %dma_wait3A_363 = arith.constant 0 : i32
        %dma_wait3A_364 = arith.constant 0 : i32
        %dma_wait3A_365 = tpu.memref_slice %arg3[%dma_wait3A_363, %dma_wait3A_364] : memref<1001x128xf32, #tpu.memory_space<hbm>> -> memref<256x128xf32, #tpu.memory_space<hbm>>
        tpu.wait_dma2 semaphore(%run_scoped3A : memref<!tpu.dma_semaphore, #tpu.memory_space<semaphore_mem>>) src(%dma_wait3A_365 : memref<256x128xf32, #tpu.memory_space<hbm>>) dst(%dma_wait3A_362 : memref<256x128xf32, #tpu.memory_space<vmem_shared>>)
        tpu.yield
      }) : () -> ()
    } else {
    }
    %eq3A_5 = arith.constant 1 : i32
    %eq3A_6 = arith.cmpi eq, %arg1, %eq3A_5 : i32
    %convert_element_type3A_7 = arith.extui %eq3A_6 : i1 to i32
    %cond3A_8 = arith.constant 0 : i32
    %cond3A_9 = arith.cmpi ne, %convert_element_type3A_7, %cond3A_8 : i32
    scf.if %cond3A_9 {
      "tpu.region"() ({
        %run_scoped3A = tpu.sem_alloc : memref<!tpu.dma_semaphore, #tpu.memory_space<semaphore_mem>>
        %dma_start3A_354 = arith.constant 256 : i32
        %dma_start3A_355 = arith.constant 0 : i32
        %dma_start3A_356 = tpu.memref_slice %arg7[%dma_start3A_354, %dma_start3A_355] : memref<1001x128xf32, #tpu.memory_space<vmem_shared>> -> memref<256x128xf32, #tpu.memory_space<vmem_shared>>
        %dma_start3A_357 = arith.constant 256 : i32
        %dma_start3A_358 = arith.constant 0 : i32
        %dma_start3A_359 = tpu.memref_slice %arg3[%dma_start3A_357, %dma_start3A_358] : memref<1001x128xf32, #tpu.memory_space<hbm>> -> memref<256x128xf32, #tpu.memory_space<hbm>>
        tpu.enqueue_dma source(%dma_start3A_359 : memref<256x128xf32, #tpu.memory_space<hbm>>) target(%dma_start3A_356 : memref<256x128xf32, #tpu.memory_space<vmem_shared>>) target_semaphore(%run_scoped3A : memref<!tpu.dma_semaphore, #tpu.memory_space<semaphore_mem>>)
        %dma_wait3A_360 = arith.constant 256 : i32
        %dma_wait3A_361 = arith.constant 0 : i32
        %dma_wait3A_362 = tpu.memref_slice %arg7[%dma_wait3A_360, %dma_wait3A_361] : memref<1001x128xf32, #tpu.memory_space<vmem_shared>> -> memref<256x128xf32, #tpu.memory_space<vmem_shared>>
        %dma_wait3A_363 = arith.constant 256 : i32
        %dma_wait3A_364 = arith.constant 0 : i32
        %dma_wait3A_365 = tpu.memref_slice %arg3[%dma_wait3A_363, %dma_wait3A_364] : memref<1001x128xf32, #tpu.memory_space<hbm>> -> memref<256x128xf32, #tpu.memory_space<hbm>>
        tpu.wait_dma2 semaphore(%run_scoped3A : memref<!tpu.dma_semaphore, #tpu.memory_space<semaphore_mem>>) src(%dma_wait3A_365 : memref<256x128xf32, #tpu.memory_space<hbm>>) dst(%dma_wait3A_362 : memref<256x128xf32, #tpu.memory_space<vmem_shared>>)
        tpu.yield
      }) : () -> ()
    } else {
    }
    %eq3A_10 = arith.constant 2 : i32
    %eq3A_11 = arith.cmpi eq, %arg1, %eq3A_10 : i32
    %convert_element_type3A_12 = arith.extui %eq3A_11 : i1 to i32
    %cond3A_13 = arith.constant 0 : i32
    %cond3A_14 = arith.cmpi ne, %convert_element_type3A_12, %cond3A_13 : i32
    scf.if %cond3A_14 {
      "tpu.region"() ({
        %run_scoped3A = tpu.sem_alloc : memref<!tpu.dma_semaphore, #tpu.memory_space<semaphore_mem>>
        %dma_start3A_354 = arith.constant 512 : i32
        %dma_start3A_355 = arith.constant 0 : i32
        %dma_start3A_356 = tpu.memref_slice %arg7[%dma_start3A_354, %dma_start3A_355] : memref<1001x128xf32, #tpu.memory_space<vmem_shared>> -> memref<256x128xf32, #tpu.memory_space<vmem_shared>>
        %dma_start3A_357 = arith.constant 512 : i32
        %dma_start3A_358 = arith.constant 0 : i32
        %dma_start3A_359 = tpu.memref_slice %arg3[%dma_start3A_357, %dma_start3A_358] : memref<1001x128xf32, #tpu.memory_space<hbm>> -> memref<256x128xf32, #tpu.memory_space<hbm>>
        tpu.enqueue_dma source(%dma_start3A_359 : memref<256x128xf32, #tpu.memory_space<hbm>>) target(%dma_start3A_356 : memref<256x128xf32, #tpu.memory_space<vmem_shared>>) target_semaphore(%run_scoped3A : memref<!tpu.dma_semaphore, #tpu.memory_space<semaphore_mem>>)
        %dma_wait3A_360 = arith.constant 512 : i32
        %dma_wait3A_361 = arith.constant 0 : i32
        %dma_wait3A_362 = tpu.memref_slice %arg7[%dma_wait3A_360, %dma_wait3A_361] : memref<1001x128xf32, #tpu.memory_space<vmem_shared>> -> memref<256x128xf32, #tpu.memory_space<vmem_shared>>
        %dma_wait3A_363 = arith.constant 512 : i32
        %dma_wait3A_364 = arith.constant 0 : i32
        %dma_wait3A_365 = tpu.memref_slice %arg3[%dma_wait3A_363, %dma_wait3A_364] : memref<1001x128xf32, #tpu.memory_space<hbm>> -> memref<256x128xf32, #tpu.memory_space<hbm>>
        tpu.wait_dma2 semaphore(%run_scoped3A : memref<!tpu.dma_semaphore, #tpu.memory_space<semaphore_mem>>) src(%dma_wait3A_365 : memref<256x128xf32, #tpu.memory_space<hbm>>) dst(%dma_wait3A_362 : memref<256x128xf32, #tpu.memory_space<vmem_shared>>)
        tpu.yield
      }) : () -> ()
    } else {
    }
    %eq3A_15 = arith.constant 3 : i32
    %eq3A_16 = arith.cmpi eq, %arg1, %eq3A_15 : i32
    %convert_element_type3A_17 = arith.extui %eq3A_16 : i1 to i32
    %cond3A_18 = arith.constant 0 : i32
    %cond3A_19 = arith.cmpi ne, %convert_element_type3A_17, %cond3A_18 : i32
    scf.if %cond3A_19 {
      "tpu.region"() ({
        %run_scoped3A = tpu.sem_alloc : memref<!tpu.dma_semaphore, #tpu.memory_space<semaphore_mem>>
        %dma_start3A_354 = arith.constant 768 : i32
        %dma_start3A_355 = arith.constant 0 : i32
        %dma_start3A_356 = tpu.memref_slice %arg7[%dma_start3A_354, %dma_start3A_355] : memref<1001x128xf32, #tpu.memory_space<vmem_shared>> -> memref<233x128xf32, #tpu.memory_space<vmem_shared>>
        %dma_start3A_357 = arith.constant 768 : i32
        %dma_start3A_358 = arith.constant 0 : i32
        %dma_start3A_359 = tpu.memref_slice %arg3[%dma_start3A_357, %dma_start3A_358] : memref<1001x128xf32, #tpu.memory_space<hbm>> -> memref<233x128xf32, #tpu.memory_space<hbm>>
        tpu.enqueue_dma source(%dma_start3A_359 : memref<233x128xf32, #tpu.memory_space<hbm>>) target(%dma_start3A_356 : memref<233x128xf32, #tpu.memory_space<vmem_shared>>) target_semaphore(%run_scoped3A : memref<!tpu.dma_semaphore, #tpu.memory_space<semaphore_mem>>)
        %dma_wait3A_360 = arith.constant 768 : i32
        %dma_wait3A_361 = arith.constant 0 : i32
        %dma_wait3A_362 = tpu.memref_slice %arg7[%dma_wait3A_360, %dma_wait3A_361] : memref<1001x128xf32, #tpu.memory_space<vmem_shared>> -> memref<233x128xf32, #tpu.memory_space<vmem_shared>>
        %dma_wait3A_363 = arith.constant 768 : i32
        %dma_wait3A_364 = arith.constant 0 : i32
        %dma_wait3A_365 = tpu.memref_slice %arg3[%dma_wait3A_363, %dma_wait3A_364] : memref<1001x128xf32, #tpu.memory_space<hbm>> -> memref<233x128xf32, #tpu.memory_space<hbm>>
        tpu.wait_dma2 semaphore(%run_scoped3A : memref<!tpu.dma_semaphore, #tpu.memory_space<semaphore_mem>>) src(%dma_wait3A_365 : memref<233x128xf32, #tpu.memory_space<hbm>>) dst(%dma_wait3A_362 : memref<233x128xf32, #tpu.memory_space<vmem_shared>>)
        tpu.yield
      }) : () -> ()
    } else {
    }
    %barrier3A = arith.constant 0 : index
    tpu.barrier barrier_id(%barrier3A)
    %dma_start3A = arith.constant 0 : i32
    %dma_start3A_20 = arith.constant 0 : i32
    %dma_start3A_21 = arith.constant 0 : i32
    %dma_start3A_22 = tpu.memref_slice %arg6[%dma_start3A_20, %dma_start3A_21] : memref<512x128xf32, #tpu.memory_space<vmem>> -> memref<64x128xf32, #tpu.memory_space<vmem>>
    %dma_start3A_23 = arith.constant 0 : i32
    %dma_start3A_24 = tpu.memref_slice %arg5[%dma_start3A, %dma_start3A_23] : memref<8x64xi32, #tpu.memory_space<vmem>> -> memref<1x64xi32, #tpu.memory_space<vmem>>
    %dma_start3A_25 = tpu.memref_squeeze %dma_start3A_24 : memref<1x64xi32, #tpu.memory_space<vmem>> -> memref<64xi32, #tpu.memory_space<vmem>>
    %dma_start3A_26 = arith.constant 0 : i32
    %dma_start3A_27 = arith.constant 0 : i32
    %dma_start3A_28 = tpu.memref_slice %arg7[%dma_start3A_26, %dma_start3A_27] : memref<1001x128xf32, #tpu.memory_space<vmem_shared>> -> memref<1001x128xf32, #tpu.memory_space<vmem_shared>>
    tpu.enqueue_indirect_dma source(%dma_start3A_28 : memref<1001x128xf32, #tpu.memory_space<vmem_shared>>) target(%dma_start3A_22 : memref<64x128xf32, #tpu.memory_space<vmem>>) offsets(%dma_start3A_25 : memref<64xi32, #tpu.memory_space<vmem>>) semaphore(%arg8 : memref<!tpu.dma_semaphore, #tpu.memory_space<semaphore_mem>>)
    %dma_start3A_29 = arith.constant 1 : i32
    %dma_start3A_30 = arith.constant 64 : i32
    %dma_start3A_31 = arith.constant 0 : i32
    %dma_start3A_32 = tpu.memref_slice %arg6[%dma_start3A_30, %dma_start3A_31] : memref<512x128xf32, #tpu.memory_space<vmem>> -> memref<64x128xf32, #tpu.memory_space<vmem>>
    %dma_start3A_33 = arith.constant 0 : i32
    %dma_start3A_34 = tpu.memref_slice %arg5[%dma_start3A_29, %dma_start3A_33] : memref<8x64xi32, #tpu.memory_space<vmem>> -> memref<1x64xi32, #tpu.memory_space<vmem>>
    %dma_start3A_35 = tpu.memref_squeeze %dma_start3A_34 : memref<1x64xi32, #tpu.memory_space<vmem>> -> memref<64xi32, #tpu.memory_space<vmem>>
    %dma_start3A_36 = arith.constant 0 : i32
    %dma_start3A_37 = arith.constant 0 : i32
    %dma_start3A_38 = tpu.memref_slice %arg7[%dma_start3A_36, %dma_start3A_37] : memref<1001x128xf32, #tpu.memory_space<vmem_shared>> -> memref<1001x128xf32, #tpu.memory_space<vmem_shared>>
    tpu.enqueue_indirect_dma source(%dma_start3A_38 : memref<1001x128xf32, #tpu.memory_space<vmem_shared>>) target(%dma_start3A_32 : memref<64x128xf32, #tpu.memory_space<vmem>>) offsets(%dma_start3A_35 : memref<64xi32, #tpu.memory_space<vmem>>) semaphore(%arg8 : memref<!tpu.dma_semaphore, #tpu.memory_space<semaphore_mem>>)
    %dma_start3A_39 = arith.constant 2 : i32
    %dma_start3A_40 = arith.constant 128 : i32
    %dma_start3A_41 = arith.constant 0 : i32
    %dma_start3A_42 = tpu.memref_slice %arg6[%dma_start3A_40, %dma_start3A_41] : memref<512x128xf32, #tpu.memory_space<vmem>> -> memref<64x128xf32, #tpu.memory_space<vmem>>
    %dma_start3A_43 = arith.constant 0 : i32
    %dma_start3A_44 = tpu.memref_slice %arg5[%dma_start3A_39, %dma_start3A_43] : memref<8x64xi32, #tpu.memory_space<vmem>> -> memref<1x64xi32, #tpu.memory_space<vmem>>
    %dma_start3A_45 = tpu.memref_squeeze %dma_start3A_44 : memref<1x64xi32, #tpu.memory_space<vmem>> -> memref<64xi32, #tpu.memory_space<vmem>>
    %dma_start3A_46 = arith.constant 0 : i32
    %dma_start3A_47 = arith.constant 0 : i32
    %dma_start3A_48 = tpu.memref_slice %arg7[%dma_start3A_46, %dma_start3A_47] : memref<1001x128xf32, #tpu.memory_space<vmem_shared>> -> memref<1001x128xf32, #tpu.memory_space<vmem_shared>>
    tpu.enqueue_indirect_dma source(%dma_start3A_48 : memref<1001x128xf32, #tpu.memory_space<vmem_shared>>) target(%dma_start3A_42 : memref<64x128xf32, #tpu.memory_space<vmem>>) offsets(%dma_start3A_45 : memref<64xi32, #tpu.memory_space<vmem>>) semaphore(%arg8 : memref<!tpu.dma_semaphore, #tpu.memory_space<semaphore_mem>>)
    %dma_start3A_49 = arith.constant 3 : i32
    %dma_start3A_50 = arith.constant 192 : i32
    %dma_start3A_51 = arith.constant 0 : i32
    %dma_start3A_52 = tpu.memref_slice %arg6[%dma_start3A_50, %dma_start3A_51] : memref<512x128xf32, #tpu.memory_space<vmem>> -> memref<64x128xf32, #tpu.memory_space<vmem>>
    %dma_start3A_53 = arith.constant 0 : i32
    %dma_start3A_54 = tpu.memref_slice %arg5[%dma_start3A_49, %dma_start3A_53] : memref<8x64xi32, #tpu.memory_space<vmem>> -> memref<1x64xi32, #tpu.memory_space<vmem>>
    %dma_start3A_55 = tpu.memref_squeeze %dma_start3A_54 : memref<1x64xi32, #tpu.memory_space<vmem>> -> memref<64xi32, #tpu.memory_space<vmem>>
    %dma_start3A_56 = arith.constant 0 : i32
    %dma_start3A_57 = arith.constant 0 : i32
    %dma_start3A_58 = tpu.memref_slice %arg7[%dma_start3A_56, %dma_start3A_57] : memref<1001x128xf32, #tpu.memory_space<vmem_shared>> -> memref<1001x128xf32, #tpu.memory_space<vmem_shared>>
    tpu.enqueue_indirect_dma source(%dma_start3A_58 : memref<1001x128xf32, #tpu.memory_space<vmem_shared>>) target(%dma_start3A_52 : memref<64x128xf32, #tpu.memory_space<vmem>>) offsets(%dma_start3A_55 : memref<64xi32, #tpu.memory_space<vmem>>) semaphore(%arg8 : memref<!tpu.dma_semaphore, #tpu.memory_space<semaphore_mem>>)
    %dma_start3A_59 = arith.constant 4 : i32
    %dma_start3A_60 = arith.constant 256 : i32
    %dma_start3A_61 = arith.constant 0 : i32
    %dma_start3A_62 = tpu.memref_slice %arg6[%dma_start3A_60, %dma_start3A_61] : memref<512x128xf32, #tpu.memory_space<vmem>> -> memref<64x128xf32, #tpu.memory_space<vmem>>
    %dma_start3A_63 = arith.constant 0 : i32
    %dma_start3A_64 = tpu.memref_slice %arg5[%dma_start3A_59, %dma_start3A_63] : memref<8x64xi32, #tpu.memory_space<vmem>> -> memref<1x64xi32, #tpu.memory_space<vmem>>
    %dma_start3A_65 = tpu.memref_squeeze %dma_start3A_64 : memref<1x64xi32, #tpu.memory_space<vmem>> -> memref<64xi32, #tpu.memory_space<vmem>>
    %dma_start3A_66 = arith.constant 0 : i32
    %dma_start3A_67 = arith.constant 0 : i32
    %dma_start3A_68 = tpu.memref_slice %arg7[%dma_start3A_66, %dma_start3A_67] : memref<1001x128xf32, #tpu.memory_space<vmem_shared>> -> memref<1001x128xf32, #tpu.memory_space<vmem_shared>>
    tpu.enqueue_indirect_dma source(%dma_start3A_68 : memref<1001x128xf32, #tpu.memory_space<vmem_shared>>) target(%dma_start3A_62 : memref<64x128xf32, #tpu.memory_space<vmem>>) offsets(%dma_start3A_65 : memref<64xi32, #tpu.memory_space<vmem>>) semaphore(%arg8 : memref<!tpu.dma_semaphore, #tpu.memory_space<semaphore_mem>>)
    %dma_start3A_69 = arith.constant 5 : i32
    %dma_start3A_70 = arith.constant 320 : i32
    %dma_start3A_71 = arith.constant 0 : i32
    %dma_start3A_72 = tpu.memref_slice %arg6[%dma_start3A_70, %dma_start3A_71] : memref<512x128xf32, #tpu.memory_space<vmem>> -> memref<64x128xf32, #tpu.memory_space<vmem>>
    %dma_start3A_73 = arith.constant 0 : i32
    %dma_start3A_74 = tpu.memref_slice %arg5[%dma_start3A_69, %dma_start3A_73] : memref<8x64xi32, #tpu.memory_space<vmem>> -> memref<1x64xi32, #tpu.memory_space<vmem>>
    %dma_start3A_75 = tpu.memref_squeeze %dma_start3A_74 : memref<1x64xi32, #tpu.memory_space<vmem>> -> memref<64xi32, #tpu.memory_space<vmem>>
    %dma_start3A_76 = arith.constant 0 : i32
    %dma_start3A_77 = arith.constant 0 : i32
    %dma_start3A_78 = tpu.memref_slice %arg7[%dma_start3A_76, %dma_start3A_77] : memref<1001x128xf32, #tpu.memory_space<vmem_shared>> -> memref<1001x128xf32, #tpu.memory_space<vmem_shared>>
    tpu.enqueue_indirect_dma source(%dma_start3A_78 : memref<1001x128xf32, #tpu.memory_space<vmem_shared>>) target(%dma_start3A_72 : memref<64x128xf32, #tpu.memory_space<vmem>>) offsets(%dma_start3A_75 : memref<64xi32, #tpu.memory_space<vmem>>) semaphore(%arg8 : memref<!tpu.dma_semaphore, #tpu.memory_space<semaphore_mem>>)
    %dma_start3A_79 = arith.constant 6 : i32
    %dma_start3A_80 = arith.constant 384 : i32
    %dma_start3A_81 = arith.constant 0 : i32
    %dma_start3A_82 = tpu.memref_slice %arg6[%dma_start3A_80, %dma_start3A_81] : memref<512x128xf32, #tpu.memory_space<vmem>> -> memref<64x128xf32, #tpu.memory_space<vmem>>
    %dma_start3A_83 = arith.constant 0 : i32
    %dma_start3A_84 = tpu.memref_slice %arg5[%dma_start3A_79, %dma_start3A_83] : memref<8x64xi32, #tpu.memory_space<vmem>> -> memref<1x64xi32, #tpu.memory_space<vmem>>
    %dma_start3A_85 = tpu.memref_squeeze %dma_start3A_84 : memref<1x64xi32, #tpu.memory_space<vmem>> -> memref<64xi32, #tpu.memory_space<vmem>>
    %dma_start3A_86 = arith.constant 0 : i32
    %dma_start3A_87 = arith.constant 0 : i32
    %dma_start3A_88 = tpu.memref_slice %arg7[%dma_start3A_86, %dma_start3A_87] : memref<1001x128xf32, #tpu.memory_space<vmem_shared>> -> memref<1001x128xf32, #tpu.memory_space<vmem_shared>>
    tpu.enqueue_indirect_dma source(%dma_start3A_88 : memref<1001x128xf32, #tpu.memory_space<vmem_shared>>) target(%dma_start3A_82 : memref<64x128xf32, #tpu.memory_space<vmem>>) offsets(%dma_start3A_85 : memref<64xi32, #tpu.memory_space<vmem>>) semaphore(%arg8 : memref<!tpu.dma_semaphore, #tpu.memory_space<semaphore_mem>>)
    %dma_start3A_89 = arith.constant 7 : i32
    %dma_start3A_90 = arith.constant 448 : i32
    %dma_start3A_91 = arith.constant 0 : i32
    %dma_start3A_92 = tpu.memref_slice %arg6[%dma_start3A_90, %dma_start3A_91] : memref<512x128xf32, #tpu.memory_space<vmem>> -> memref<64x128xf32, #tpu.memory_space<vmem>>
    %dma_start3A_93 = arith.constant 0 : i32
    %dma_start3A_94 = tpu.memref_slice %arg5[%dma_start3A_89, %dma_start3A_93] : memref<8x64xi32, #tpu.memory_space<vmem>> -> memref<1x64xi32, #tpu.memory_space<vmem>>
    %dma_start3A_95 = tpu.memref_squeeze %dma_start3A_94 : memref<1x64xi32, #tpu.memory_space<vmem>> -> memref<64xi32, #tpu.memory_space<vmem>>
    %dma_start3A_96 = arith.constant 0 : i32
    %dma_start3A_97 = arith.constant 0 : i32
    %dma_start3A_98 = tpu.memref_slice %arg7[%dma_start3A_96, %dma_start3A_97] : memref<1001x128xf32, #tpu.memory_space<vmem_shared>> -> memref<1001x128xf32, #tpu.memory_space<vmem_shared>>
    tpu.enqueue_indirect_dma source(%dma_start3A_98 : memref<1001x128xf32, #tpu.memory_space<vmem_shared>>) target(%dma_start3A_92 : memref<64x128xf32, #tpu.memory_space<vmem>>) offsets(%dma_start3A_95 : memref<64xi32, #tpu.memory_space<vmem>>) semaphore(%arg8 : memref<!tpu.dma_semaphore, #tpu.memory_space<semaphore_mem>>)
    %dma_wait3A = arith.constant 0 : i32
    %dma_wait3A_99 = arith.constant 0 : i32
    %dma_wait3A_100 = arith.constant 0 : i32
    %dma_wait3A_101 = tpu.memref_slice %arg6[%dma_wait3A_99, %dma_wait3A_100] : memref<512x128xf32, #tpu.memory_space<vmem>> -> memref<64x128xf32, #tpu.memory_space<vmem>>
    %dma_wait3A_102 = arith.constant 0 : i32
    %dma_wait3A_103 = tpu.memref_slice %arg5[%dma_wait3A, %dma_wait3A_102] : memref<8x64xi32, #tpu.memory_space<vmem>> -> memref<1x64xi32, #tpu.memory_space<vmem>>
    %dma_wait3A_104 = tpu.memref_squeeze %dma_wait3A_103 : memref<1x64xi32, #tpu.memory_space<vmem>> -> memref<64xi32, #tpu.memory_space<vmem>>
    %dma_wait3A_105 = arith.constant 0 : i32
    %dma_wait3A_106 = arith.constant 0 : i32
    %dma_wait3A_107 = tpu.memref_slice %arg7[%dma_wait3A_105, %dma_wait3A_106] : memref<1001x128xf32, #tpu.memory_space<vmem_shared>> -> memref<1001x128xf32, #tpu.memory_space<vmem_shared>>
    tpu.wait_indirect_dma semaphore(%arg8 : memref<!tpu.dma_semaphore, #tpu.memory_space<semaphore_mem>>) src(%dma_wait3A_107 : memref<1001x128xf32, #tpu.memory_space<vmem_shared>>) dst(%dma_wait3A_101 : memref<64x128xf32, #tpu.memory_space<vmem>>)
    %add3A_108 = arith.constant 0 : i32
    %add3A_109 = arith.addi %mul3A_2, %add3A_108 : i32
    %dma_start3A_110 = arith.constant 0 : i32
    %dma_start3A_111 = arith.constant 0 : i32
    %dma_start3A_112 = tpu.memref_slice %arg6[%dma_start3A_110, %dma_start3A_111] : memref<512x128xf32, #tpu.memory_space<vmem>> -> memref<64x128xf32, #tpu.memory_space<vmem>>
    %dma_start3A_113 = arith.constant 0 : i32
    %dma_start3A_114 = tpu.memref_slice %arg4[%add3A_109, %dma_start3A_113] : memref<16384x128xf32, #tpu.memory_space<hbm>> -> memref<64x128xf32, #tpu.memory_space<hbm>>
    %dma_start3A_115 = arith.constant 0 : i32
    %dma_start3A_116 = tpu.memref_slice %arg4[%add3A_109, %dma_start3A_115] : memref<16384x128xf32, #tpu.memory_space<hbm>> -> memref<64x128xf32, #tpu.memory_space<hbm>>
    %dma_start3A_117 = arith.constant 0 : i32
    %dma_start3A_118 = arith.constant 0 : i32
    %dma_start3A_119 = tpu.memref_slice %arg6[%dma_start3A_117, %dma_start3A_118] : memref<512x128xf32, #tpu.memory_space<vmem>> -> memref<64x128xf32, #tpu.memory_space<vmem>>
    tpu.enqueue_dma source(%dma_start3A_119 : memref<64x128xf32, #tpu.memory_space<vmem>>) target(%dma_start3A_116 : memref<64x128xf32, #tpu.memory_space<hbm>>) target_semaphore(%arg9 : memref<!tpu.dma_semaphore, #tpu.memory_space<semaphore_mem>>)
    %dma_wait3A_120 = arith.constant 1 : i32
    %dma_wait3A_121 = arith.constant 64 : i32
    %dma_wait3A_122 = arith.constant 0 : i32
    %dma_wait3A_123 = tpu.memref_slice %arg6[%dma_wait3A_121, %dma_wait3A_122] : memref<512x128xf32, #tpu.memory_space<vmem>> -> memref<64x128xf32, #tpu.memory_space<vmem>>
    %dma_wait3A_124 = arith.constant 0 : i32
    %dma_wait3A_125 = tpu.memref_slice %arg5[%dma_wait3A_120, %dma_wait3A_124] : memref<8x64xi32, #tpu.memory_space<vmem>> -> memref<1x64xi32, #tpu.memory_space<vmem>>
    %dma_wait3A_126 = tpu.memref_squeeze %dma_wait3A_125 : memref<1x64xi32, #tpu.memory_space<vmem>> -> memref<64xi32, #tpu.memory_space<vmem>>
    %dma_wait3A_127 = arith.constant 0 : i32
    %dma_wait3A_128 = arith.constant 0 : i32
    %dma_wait3A_129 = tpu.memref_slice %arg7[%dma_wait3A_127, %dma_wait3A_128] : memref<1001x128xf32, #tpu.memory_space<vmem_shared>> -> memref<1001x128xf32, #tpu.memory_space<vmem_shared>>
    tpu.wait_indirect_dma semaphore(%arg8 : memref<!tpu.dma_semaphore, #tpu.memory_space<semaphore_mem>>) src(%dma_wait3A_129 : memref<1001x128xf32, #tpu.memory_space<vmem_shared>>) dst(%dma_wait3A_123 : memref<64x128xf32, #tpu.memory_space<vmem>>)
    %add3A_130 = arith.constant 64 : i32
    %add3A_131 = arith.addi %mul3A_2, %add3A_130 : i32
    %dma_start3A_132 = arith.constant 64 : i32
    %dma_start3A_133 = arith.constant 0 : i32
    %dma_start3A_134 = tpu.memref_slice %arg6[%dma_start3A_132, %dma_start3A_133] : memref<512x128xf32, #tpu.memory_space<vmem>> -> memref<64x128xf32, #tpu.memory_space<vmem>>
    %dma_start3A_135 = arith.constant 0 : i32
    %dma_start3A_136 = tpu.memref_slice %arg4[%add3A_131, %dma_start3A_135] : memref<16384x128xf32, #tpu.memory_space<hbm>> -> memref<64x128xf32, #tpu.memory_space<hbm>>
    %dma_start3A_137 = arith.constant 0 : i32
    %dma_start3A_138 = tpu.memref_slice %arg4[%add3A_131, %dma_start3A_137] : memref<16384x128xf32, #tpu.memory_space<hbm>> -> memref<64x128xf32, #tpu.memory_space<hbm>>
    %dma_start3A_139 = arith.constant 64 : i32
    %dma_start3A_140 = arith.constant 0 : i32
    %dma_start3A_141 = tpu.memref_slice %arg6[%dma_start3A_139, %dma_start3A_140] : memref<512x128xf32, #tpu.memory_space<vmem>> -> memref<64x128xf32, #tpu.memory_space<vmem>>
    tpu.enqueue_dma source(%dma_start3A_141 : memref<64x128xf32, #tpu.memory_space<vmem>>) target(%dma_start3A_138 : memref<64x128xf32, #tpu.memory_space<hbm>>) target_semaphore(%arg9 : memref<!tpu.dma_semaphore, #tpu.memory_space<semaphore_mem>>)
    %dma_wait3A_142 = arith.constant 2 : i32
    %dma_wait3A_143 = arith.constant 128 : i32
    %dma_wait3A_144 = arith.constant 0 : i32
    %dma_wait3A_145 = tpu.memref_slice %arg6[%dma_wait3A_143, %dma_wait3A_144] : memref<512x128xf32, #tpu.memory_space<vmem>> -> memref<64x128xf32, #tpu.memory_space<vmem>>
    %dma_wait3A_146 = arith.constant 0 : i32
    %dma_wait3A_147 = tpu.memref_slice %arg5[%dma_wait3A_142, %dma_wait3A_146] : memref<8x64xi32, #tpu.memory_space<vmem>> -> memref<1x64xi32, #tpu.memory_space<vmem>>
    %dma_wait3A_148 = tpu.memref_squeeze %dma_wait3A_147 : memref<1x64xi32, #tpu.memory_space<vmem>> -> memref<64xi32, #tpu.memory_space<vmem>>
    %dma_wait3A_149 = arith.constant 0 : i32
    %dma_wait3A_150 = arith.constant 0 : i32
    %dma_wait3A_151 = tpu.memref_slice %arg7[%dma_wait3A_149, %dma_wait3A_150] : memref<1001x128xf32, #tpu.memory_space<vmem_shared>> -> memref<1001x128xf32, #tpu.memory_space<vmem_shared>>
    tpu.wait_indirect_dma semaphore(%arg8 : memref<!tpu.dma_semaphore, #tpu.memory_space<semaphore_mem>>) src(%dma_wait3A_151 : memref<1001x128xf32, #tpu.memory_space<vmem_shared>>) dst(%dma_wait3A_145 : memref<64x128xf32, #tpu.memory_space<vmem>>)
    %add3A_152 = arith.constant 128 : i32
    %add3A_153 = arith.addi %mul3A_2, %add3A_152 : i32
    %dma_start3A_154 = arith.constant 128 : i32
    %dma_start3A_155 = arith.constant 0 : i32
    %dma_start3A_156 = tpu.memref_slice %arg6[%dma_start3A_154, %dma_start3A_155] : memref<512x128xf32, #tpu.memory_space<vmem>> -> memref<64x128xf32, #tpu.memory_space<vmem>>
    %dma_start3A_157 = arith.constant 0 : i32
    %dma_start3A_158 = tpu.memref_slice %arg4[%add3A_153, %dma_start3A_157] : memref<16384x128xf32, #tpu.memory_space<hbm>> -> memref<64x128xf32, #tpu.memory_space<hbm>>
    %dma_start3A_159 = arith.constant 0 : i32
    %dma_start3A_160 = tpu.memref_slice %arg4[%add3A_153, %dma_start3A_159] : memref<16384x128xf32, #tpu.memory_space<hbm>> -> memref<64x128xf32, #tpu.memory_space<hbm>>
    %dma_start3A_161 = arith.constant 128 : i32
    %dma_start3A_162 = arith.constant 0 : i32
    %dma_start3A_163 = tpu.memref_slice %arg6[%dma_start3A_161, %dma_start3A_162] : memref<512x128xf32, #tpu.memory_space<vmem>> -> memref<64x128xf32, #tpu.memory_space<vmem>>
    tpu.enqueue_dma source(%dma_start3A_163 : memref<64x128xf32, #tpu.memory_space<vmem>>) target(%dma_start3A_160 : memref<64x128xf32, #tpu.memory_space<hbm>>) target_semaphore(%arg9 : memref<!tpu.dma_semaphore, #tpu.memory_space<semaphore_mem>>)
    %dma_wait3A_164 = arith.constant 3 : i32
    %dma_wait3A_165 = arith.constant 192 : i32
    %dma_wait3A_166 = arith.constant 0 : i32
    %dma_wait3A_167 = tpu.memref_slice %arg6[%dma_wait3A_165, %dma_wait3A_166] : memref<512x128xf32, #tpu.memory_space<vmem>> -> memref<64x128xf32, #tpu.memory_space<vmem>>
    %dma_wait3A_168 = arith.constant 0 : i32
    %dma_wait3A_169 = tpu.memref_slice %arg5[%dma_wait3A_164, %dma_wait3A_168] : memref<8x64xi32, #tpu.memory_space<vmem>> -> memref<1x64xi32, #tpu.memory_space<vmem>>
    %dma_wait3A_170 = tpu.memref_squeeze %dma_wait3A_169 : memref<1x64xi32, #tpu.memory_space<vmem>> -> memref<64xi32, #tpu.memory_space<vmem>>
    %dma_wait3A_171 = arith.constant 0 : i32
    %dma_wait3A_172 = arith.constant 0 : i32
    %dma_wait3A_173 = tpu.memref_slice %arg7[%dma_wait3A_171, %dma_wait3A_172] : memref<1001x128xf32, #tpu.memory_space<vmem_shared>> -> memref<1001x128xf32, #tpu.memory_space<vmem_shared>>
    tpu.wait_indirect_dma semaphore(%arg8 : memref<!tpu.dma_semaphore, #tpu.memory_space<semaphore_mem>>) src(%dma_wait3A_173 : memref<1001x128xf32, #tpu.memory_space<vmem_shared>>) dst(%dma_wait3A_167 : memref<64x128xf32, #tpu.memory_space<vmem>>)
    %add3A_174 = arith.constant 192 : i32
    %add3A_175 = arith.addi %mul3A_2, %add3A_174 : i32
    %dma_start3A_176 = arith.constant 192 : i32
    %dma_start3A_177 = arith.constant 0 : i32
    %dma_start3A_178 = tpu.memref_slice %arg6[%dma_start3A_176, %dma_start3A_177] : memref<512x128xf32, #tpu.memory_space<vmem>> -> memref<64x128xf32, #tpu.memory_space<vmem>>
    %dma_start3A_179 = arith.constant 0 : i32
    %dma_start3A_180 = tpu.memref_slice %arg4[%add3A_175, %dma_start3A_179] : memref<16384x128xf32, #tpu.memory_space<hbm>> -> memref<64x128xf32, #tpu.memory_space<hbm>>
    %dma_start3A_181 = arith.constant 0 : i32
    %dma_start3A_182 = tpu.memref_slice %arg4[%add3A_175, %dma_start3A_181] : memref<16384x128xf32, #tpu.memory_space<hbm>> -> memref<64x128xf32, #tpu.memory_space<hbm>>
    %dma_start3A_183 = arith.constant 192 : i32
    %dma_start3A_184 = arith.constant 0 : i32
    %dma_start3A_185 = tpu.memref_slice %arg6[%dma_start3A_183, %dma_start3A_184] : memref<512x128xf32, #tpu.memory_space<vmem>> -> memref<64x128xf32, #tpu.memory_space<vmem>>
    tpu.enqueue_dma source(%dma_start3A_185 : memref<64x128xf32, #tpu.memory_space<vmem>>) target(%dma_start3A_182 : memref<64x128xf32, #tpu.memory_space<hbm>>) target_semaphore(%arg9 : memref<!tpu.dma_semaphore, #tpu.memory_space<semaphore_mem>>)
    %dma_wait3A_186 = arith.constant 4 : i32
    %dma_wait3A_187 = arith.constant 256 : i32
    %dma_wait3A_188 = arith.constant 0 : i32
    %dma_wait3A_189 = tpu.memref_slice %arg6[%dma_wait3A_187, %dma_wait3A_188] : memref<512x128xf32, #tpu.memory_space<vmem>> -> memref<64x128xf32, #tpu.memory_space<vmem>>
    %dma_wait3A_190 = arith.constant 0 : i32
    %dma_wait3A_191 = tpu.memref_slice %arg5[%dma_wait3A_186, %dma_wait3A_190] : memref<8x64xi32, #tpu.memory_space<vmem>> -> memref<1x64xi32, #tpu.memory_space<vmem>>
    %dma_wait3A_192 = tpu.memref_squeeze %dma_wait3A_191 : memref<1x64xi32, #tpu.memory_space<vmem>> -> memref<64xi32, #tpu.memory_space<vmem>>
    %dma_wait3A_193 = arith.constant 0 : i32
    %dma_wait3A_194 = arith.constant 0 : i32
    %dma_wait3A_195 = tpu.memref_slice %arg7[%dma_wait3A_193, %dma_wait3A_194] : memref<1001x128xf32, #tpu.memory_space<vmem_shared>> -> memref<1001x128xf32, #tpu.memory_space<vmem_shared>>
    tpu.wait_indirect_dma semaphore(%arg8 : memref<!tpu.dma_semaphore, #tpu.memory_space<semaphore_mem>>) src(%dma_wait3A_195 : memref<1001x128xf32, #tpu.memory_space<vmem_shared>>) dst(%dma_wait3A_189 : memref<64x128xf32, #tpu.memory_space<vmem>>)
    %add3A_196 = arith.constant 256 : i32
    %add3A_197 = arith.addi %mul3A_2, %add3A_196 : i32
    %dma_start3A_198 = arith.constant 256 : i32
    %dma_start3A_199 = arith.constant 0 : i32
    %dma_start3A_200 = tpu.memref_slice %arg6[%dma_start3A_198, %dma_start3A_199] : memref<512x128xf32, #tpu.memory_space<vmem>> -> memref<64x128xf32, #tpu.memory_space<vmem>>
    %dma_start3A_201 = arith.constant 0 : i32
    %dma_start3A_202 = tpu.memref_slice %arg4[%add3A_197, %dma_start3A_201] : memref<16384x128xf32, #tpu.memory_space<hbm>> -> memref<64x128xf32, #tpu.memory_space<hbm>>
    %dma_start3A_203 = arith.constant 0 : i32
    %dma_start3A_204 = tpu.memref_slice %arg4[%add3A_197, %dma_start3A_203] : memref<16384x128xf32, #tpu.memory_space<hbm>> -> memref<64x128xf32, #tpu.memory_space<hbm>>
    %dma_start3A_205 = arith.constant 256 : i32
    %dma_start3A_206 = arith.constant 0 : i32
    %dma_start3A_207 = tpu.memref_slice %arg6[%dma_start3A_205, %dma_start3A_206] : memref<512x128xf32, #tpu.memory_space<vmem>> -> memref<64x128xf32, #tpu.memory_space<vmem>>
    tpu.enqueue_dma source(%dma_start3A_207 : memref<64x128xf32, #tpu.memory_space<vmem>>) target(%dma_start3A_204 : memref<64x128xf32, #tpu.memory_space<hbm>>) target_semaphore(%arg9 : memref<!tpu.dma_semaphore, #tpu.memory_space<semaphore_mem>>)
    %dma_wait3A_208 = arith.constant 5 : i32
    %dma_wait3A_209 = arith.constant 320 : i32
    %dma_wait3A_210 = arith.constant 0 : i32
    %dma_wait3A_211 = tpu.memref_slice %arg6[%dma_wait3A_209, %dma_wait3A_210] : memref<512x128xf32, #tpu.memory_space<vmem>> -> memref<64x128xf32, #tpu.memory_space<vmem>>
    %dma_wait3A_212 = arith.constant 0 : i32
    %dma_wait3A_213 = tpu.memref_slice %arg5[%dma_wait3A_208, %dma_wait3A_212] : memref<8x64xi32, #tpu.memory_space<vmem>> -> memref<1x64xi32, #tpu.memory_space<vmem>>
    %dma_wait3A_214 = tpu.memref_squeeze %dma_wait3A_213 : memref<1x64xi32, #tpu.memory_space<vmem>> -> memref<64xi32, #tpu.memory_space<vmem>>
    %dma_wait3A_215 = arith.constant 0 : i32
    %dma_wait3A_216 = arith.constant 0 : i32
    %dma_wait3A_217 = tpu.memref_slice %arg7[%dma_wait3A_215, %dma_wait3A_216] : memref<1001x128xf32, #tpu.memory_space<vmem_shared>> -> memref<1001x128xf32, #tpu.memory_space<vmem_shared>>
    tpu.wait_indirect_dma semaphore(%arg8 : memref<!tpu.dma_semaphore, #tpu.memory_space<semaphore_mem>>) src(%dma_wait3A_217 : memref<1001x128xf32, #tpu.memory_space<vmem_shared>>) dst(%dma_wait3A_211 : memref<64x128xf32, #tpu.memory_space<vmem>>)
    %add3A_218 = arith.constant 320 : i32
    %add3A_219 = arith.addi %mul3A_2, %add3A_218 : i32
    %dma_start3A_220 = arith.constant 320 : i32
    %dma_start3A_221 = arith.constant 0 : i32
    %dma_start3A_222 = tpu.memref_slice %arg6[%dma_start3A_220, %dma_start3A_221] : memref<512x128xf32, #tpu.memory_space<vmem>> -> memref<64x128xf32, #tpu.memory_space<vmem>>
    %dma_start3A_223 = arith.constant 0 : i32
    %dma_start3A_224 = tpu.memref_slice %arg4[%add3A_219, %dma_start3A_223] : memref<16384x128xf32, #tpu.memory_space<hbm>> -> memref<64x128xf32, #tpu.memory_space<hbm>>
    %dma_start3A_225 = arith.constant 0 : i32
    %dma_start3A_226 = tpu.memref_slice %arg4[%add3A_219, %dma_start3A_225] : memref<16384x128xf32, #tpu.memory_space<hbm>> -> memref<64x128xf32, #tpu.memory_space<hbm>>
    %dma_start3A_227 = arith.constant 320 : i32
    %dma_start3A_228 = arith.constant 0 : i32
    %dma_start3A_229 = tpu.memref_slice %arg6[%dma_start3A_227, %dma_start3A_228] : memref<512x128xf32, #tpu.memory_space<vmem>> -> memref<64x128xf32, #tpu.memory_space<vmem>>
    tpu.enqueue_dma source(%dma_start3A_229 : memref<64x128xf32, #tpu.memory_space<vmem>>) target(%dma_start3A_226 : memref<64x128xf32, #tpu.memory_space<hbm>>) target_semaphore(%arg9 : memref<!tpu.dma_semaphore, #tpu.memory_space<semaphore_mem>>)
    %dma_wait3A_230 = arith.constant 6 : i32
    %dma_wait3A_231 = arith.constant 384 : i32
    %dma_wait3A_232 = arith.constant 0 : i32
    %dma_wait3A_233 = tpu.memref_slice %arg6[%dma_wait3A_231, %dma_wait3A_232] : memref<512x128xf32, #tpu.memory_space<vmem>> -> memref<64x128xf32, #tpu.memory_space<vmem>>
    %dma_wait3A_234 = arith.constant 0 : i32
    %dma_wait3A_235 = tpu.memref_slice %arg5[%dma_wait3A_230, %dma_wait3A_234] : memref<8x64xi32, #tpu.memory_space<vmem>> -> memref<1x64xi32, #tpu.memory_space<vmem>>
    %dma_wait3A_236 = tpu.memref_squeeze %dma_wait3A_235 : memref<1x64xi32, #tpu.memory_space<vmem>> -> memref<64xi32, #tpu.memory_space<vmem>>
    %dma_wait3A_237 = arith.constant 0 : i32
    %dma_wait3A_238 = arith.constant 0 : i32
    %dma_wait3A_239 = tpu.memref_slice %arg7[%dma_wait3A_237, %dma_wait3A_238] : memref<1001x128xf32, #tpu.memory_space<vmem_shared>> -> memref<1001x128xf32, #tpu.memory_space<vmem_shared>>
    tpu.wait_indirect_dma semaphore(%arg8 : memref<!tpu.dma_semaphore, #tpu.memory_space<semaphore_mem>>) src(%dma_wait3A_239 : memref<1001x128xf32, #tpu.memory_space<vmem_shared>>) dst(%dma_wait3A_233 : memref<64x128xf32, #tpu.memory_space<vmem>>)
    %add3A_240 = arith.constant 384 : i32
    %add3A_241 = arith.addi %mul3A_2, %add3A_240 : i32
    %dma_start3A_242 = arith.constant 384 : i32
    %dma_start3A_243 = arith.constant 0 : i32
    %dma_start3A_244 = tpu.memref_slice %arg6[%dma_start3A_242, %dma_start3A_243] : memref<512x128xf32, #tpu.memory_space<vmem>> -> memref<64x128xf32, #tpu.memory_space<vmem>>
    %dma_start3A_245 = arith.constant 0 : i32
    %dma_start3A_246 = tpu.memref_slice %arg4[%add3A_241, %dma_start3A_245] : memref<16384x128xf32, #tpu.memory_space<hbm>> -> memref<64x128xf32, #tpu.memory_space<hbm>>
    %dma_start3A_247 = arith.constant 0 : i32
    %dma_start3A_248 = tpu.memref_slice %arg4[%add3A_241, %dma_start3A_247] : memref<16384x128xf32, #tpu.memory_space<hbm>> -> memref<64x128xf32, #tpu.memory_space<hbm>>
    %dma_start3A_249 = arith.constant 384 : i32
    %dma_start3A_250 = arith.constant 0 : i32
    %dma_start3A_251 = tpu.memref_slice %arg6[%dma_start3A_249, %dma_start3A_250] : memref<512x128xf32, #tpu.memory_space<vmem>> -> memref<64x128xf32, #tpu.memory_space<vmem>>
    tpu.enqueue_dma source(%dma_start3A_251 : memref<64x128xf32, #tpu.memory_space<vmem>>) target(%dma_start3A_248 : memref<64x128xf32, #tpu.memory_space<hbm>>) target_semaphore(%arg9 : memref<!tpu.dma_semaphore, #tpu.memory_space<semaphore_mem>>)
    %dma_wait3A_252 = arith.constant 7 : i32
    %dma_wait3A_253 = arith.constant 448 : i32
    %dma_wait3A_254 = arith.constant 0 : i32
    %dma_wait3A_255 = tpu.memref_slice %arg6[%dma_wait3A_253, %dma_wait3A_254] : memref<512x128xf32, #tpu.memory_space<vmem>> -> memref<64x128xf32, #tpu.memory_space<vmem>>
    %dma_wait3A_256 = arith.constant 0 : i32
    %dma_wait3A_257 = tpu.memref_slice %arg5[%dma_wait3A_252, %dma_wait3A_256] : memref<8x64xi32, #tpu.memory_space<vmem>> -> memref<1x64xi32, #tpu.memory_space<vmem>>
    %dma_wait3A_258 = tpu.memref_squeeze %dma_wait3A_257 : memref<1x64xi32, #tpu.memory_space<vmem>> -> memref<64xi32, #tpu.memory_space<vmem>>
    %dma_wait3A_259 = arith.constant 0 : i32
    %dma_wait3A_260 = arith.constant 0 : i32
    %dma_wait3A_261 = tpu.memref_slice %arg7[%dma_wait3A_259, %dma_wait3A_260] : memref<1001x128xf32, #tpu.memory_space<vmem_shared>> -> memref<1001x128xf32, #tpu.memory_space<vmem_shared>>
    tpu.wait_indirect_dma semaphore(%arg8 : memref<!tpu.dma_semaphore, #tpu.memory_space<semaphore_mem>>) src(%dma_wait3A_261 : memref<1001x128xf32, #tpu.memory_space<vmem_shared>>) dst(%dma_wait3A_255 : memref<64x128xf32, #tpu.memory_space<vmem>>)
    %add3A_262 = arith.constant 448 : i32
    %add3A_263 = arith.addi %mul3A_2, %add3A_262 : i32
    %dma_start3A_264 = arith.constant 448 : i32
    %dma_start3A_265 = arith.constant 0 : i32
    %dma_start3A_266 = tpu.memref_slice %arg6[%dma_start3A_264, %dma_start3A_265] : memref<512x128xf32, #tpu.memory_space<vmem>> -> memref<64x128xf32, #tpu.memory_space<vmem>>
    %dma_start3A_267 = arith.constant 0 : i32
    %dma_start3A_268 = tpu.memref_slice %arg4[%add3A_263, %dma_start3A_267] : memref<16384x128xf32, #tpu.memory_space<hbm>> -> memref<64x128xf32, #tpu.memory_space<hbm>>
    %dma_start3A_269 = arith.constant 0 : i32
    %dma_start3A_270 = tpu.memref_slice %arg4[%add3A_263, %dma_start3A_269] : memref<16384x128xf32, #tpu.memory_space<hbm>> -> memref<64x128xf32, #tpu.memory_space<hbm>>
    %dma_start3A_271 = arith.constant 448 : i32
    %dma_start3A_272 = arith.constant 0 : i32
    %dma_start3A_273 = tpu.memref_slice %arg6[%dma_start3A_271, %dma_start3A_272] : memref<512x128xf32, #tpu.memory_space<vmem>> -> memref<64x128xf32, #tpu.memory_space<vmem>>
    tpu.enqueue_dma source(%dma_start3A_273 : memref<64x128xf32, #tpu.memory_space<vmem>>) target(%dma_start3A_270 : memref<64x128xf32, #tpu.memory_space<hbm>>) target_semaphore(%arg9 : memref<!tpu.dma_semaphore, #tpu.memory_space<semaphore_mem>>)
    %dma_wait3A_274 = arith.constant 0 : i32
    %dma_wait3A_275 = arith.constant 0 : i32
    %dma_wait3A_276 = tpu.memref_slice %arg6[%dma_wait3A_274, %dma_wait3A_275] : memref<512x128xf32, #tpu.memory_space<vmem>> -> memref<64x128xf32, #tpu.memory_space<vmem>>
    %dma_wait3A_277 = arith.constant 0 : i32
    %dma_wait3A_278 = tpu.memref_slice %arg4[%add3A_109, %dma_wait3A_277] : memref<16384x128xf32, #tpu.memory_space<hbm>> -> memref<64x128xf32, #tpu.memory_space<hbm>>
    %dma_wait3A_279 = arith.constant 0 : i32
    %dma_wait3A_280 = tpu.memref_slice %arg4[%add3A_109, %dma_wait3A_279] : memref<16384x128xf32, #tpu.memory_space<hbm>> -> memref<64x128xf32, #tpu.memory_space<hbm>>
    %dma_wait3A_281 = arith.constant 0 : i32
    %dma_wait3A_282 = arith.constant 0 : i32
    %dma_wait3A_283 = tpu.memref_slice %arg6[%dma_wait3A_281, %dma_wait3A_282] : memref<512x128xf32, #tpu.memory_space<vmem>> -> memref<64x128xf32, #tpu.memory_space<vmem>>
    tpu.wait_dma2 semaphore(%arg9 : memref<!tpu.dma_semaphore, #tpu.memory_space<semaphore_mem>>) src(%dma_wait3A_283 : memref<64x128xf32, #tpu.memory_space<vmem>>) dst(%dma_wait3A_280 : memref<64x128xf32, #tpu.memory_space<hbm>>)
    %dma_wait3A_284 = arith.constant 64 : i32
    %dma_wait3A_285 = arith.constant 0 : i32
    %dma_wait3A_286 = tpu.memref_slice %arg6[%dma_wait3A_284, %dma_wait3A_285] : memref<512x128xf32, #tpu.memory_space<vmem>> -> memref<64x128xf32, #tpu.memory_space<vmem>>
    %dma_wait3A_287 = arith.constant 0 : i32
    %dma_wait3A_288 = tpu.memref_slice %arg4[%add3A_131, %dma_wait3A_287] : memref<16384x128xf32, #tpu.memory_space<hbm>> -> memref<64x128xf32, #tpu.memory_space<hbm>>
    %dma_wait3A_289 = arith.constant 0 : i32
    %dma_wait3A_290 = tpu.memref_slice %arg4[%add3A_131, %dma_wait3A_289] : memref<16384x128xf32, #tpu.memory_space<hbm>> -> memref<64x128xf32, #tpu.memory_space<hbm>>
    %dma_wait3A_291 = arith.constant 64 : i32
    %dma_wait3A_292 = arith.constant 0 : i32
    %dma_wait3A_293 = tpu.memref_slice %arg6[%dma_wait3A_291, %dma_wait3A_292] : memref<512x128xf32, #tpu.memory_space<vmem>> -> memref<64x128xf32, #tpu.memory_space<vmem>>
    tpu.wait_dma2 semaphore(%arg9 : memref<!tpu.dma_semaphore, #tpu.memory_space<semaphore_mem>>) src(%dma_wait3A_293 : memref<64x128xf32, #tpu.memory_space<vmem>>) dst(%dma_wait3A_290 : memref<64x128xf32, #tpu.memory_space<hbm>>)
    %dma_wait3A_294 = arith.constant 128 : i32
    %dma_wait3A_295 = arith.constant 0 : i32
    %dma_wait3A_296 = tpu.memref_slice %arg6[%dma_wait3A_294, %dma_wait3A_295] : memref<512x128xf32, #tpu.memory_space<vmem>> -> memref<64x128xf32, #tpu.memory_space<vmem>>
    %dma_wait3A_297 = arith.constant 0 : i32
    %dma_wait3A_298 = tpu.memref_slice %arg4[%add3A_153, %dma_wait3A_297] : memref<16384x128xf32, #tpu.memory_space<hbm>> -> memref<64x128xf32, #tpu.memory_space<hbm>>
    %dma_wait3A_299 = arith.constant 0 : i32
    %dma_wait3A_300 = tpu.memref_slice %arg4[%add3A_153, %dma_wait3A_299] : memref<16384x128xf32, #tpu.memory_space<hbm>> -> memref<64x128xf32, #tpu.memory_space<hbm>>
    %dma_wait3A_301 = arith.constant 128 : i32
    %dma_wait3A_302 = arith.constant 0 : i32
    %dma_wait3A_303 = tpu.memref_slice %arg6[%dma_wait3A_301, %dma_wait3A_302] : memref<512x128xf32, #tpu.memory_space<vmem>> -> memref<64x128xf32, #tpu.memory_space<vmem>>
    tpu.wait_dma2 semaphore(%arg9 : memref<!tpu.dma_semaphore, #tpu.memory_space<semaphore_mem>>) src(%dma_wait3A_303 : memref<64x128xf32, #tpu.memory_space<vmem>>) dst(%dma_wait3A_300 : memref<64x128xf32, #tpu.memory_space<hbm>>)
    %dma_wait3A_304 = arith.constant 192 : i32
    %dma_wait3A_305 = arith.constant 0 : i32
    %dma_wait3A_306 = tpu.memref_slice %arg6[%dma_wait3A_304, %dma_wait3A_305] : memref<512x128xf32, #tpu.memory_space<vmem>> -> memref<64x128xf32, #tpu.memory_space<vmem>>
    %dma_wait3A_307 = arith.constant 0 : i32
    %dma_wait3A_308 = tpu.memref_slice %arg4[%add3A_175, %dma_wait3A_307] : memref<16384x128xf32, #tpu.memory_space<hbm>> -> memref<64x128xf32, #tpu.memory_space<hbm>>
    %dma_wait3A_309 = arith.constant 0 : i32
    %dma_wait3A_310 = tpu.memref_slice %arg4[%add3A_175, %dma_wait3A_309] : memref<16384x128xf32, #tpu.memory_space<hbm>> -> memref<64x128xf32, #tpu.memory_space<hbm>>
    %dma_wait3A_311 = arith.constant 192 : i32
    %dma_wait3A_312 = arith.constant 0 : i32
    %dma_wait3A_313 = tpu.memref_slice %arg6[%dma_wait3A_311, %dma_wait3A_312] : memref<512x128xf32, #tpu.memory_space<vmem>> -> memref<64x128xf32, #tpu.memory_space<vmem>>
    tpu.wait_dma2 semaphore(%arg9 : memref<!tpu.dma_semaphore, #tpu.memory_space<semaphore_mem>>) src(%dma_wait3A_313 : memref<64x128xf32, #tpu.memory_space<vmem>>) dst(%dma_wait3A_310 : memref<64x128xf32, #tpu.memory_space<hbm>>)
    %dma_wait3A_314 = arith.constant 256 : i32
    %dma_wait3A_315 = arith.constant 0 : i32
    %dma_wait3A_316 = tpu.memref_slice %arg6[%dma_wait3A_314, %dma_wait3A_315] : memref<512x128xf32, #tpu.memory_space<vmem>> -> memref<64x128xf32, #tpu.memory_space<vmem>>
    %dma_wait3A_317 = arith.constant 0 : i32
    %dma_wait3A_318 = tpu.memref_slice %arg4[%add3A_197, %dma_wait3A_317] : memref<16384x128xf32, #tpu.memory_space<hbm>> -> memref<64x128xf32, #tpu.memory_space<hbm>>
    %dma_wait3A_319 = arith.constant 0 : i32
    %dma_wait3A_320 = tpu.memref_slice %arg4[%add3A_197, %dma_wait3A_319] : memref<16384x128xf32, #tpu.memory_space<hbm>> -> memref<64x128xf32, #tpu.memory_space<hbm>>
    %dma_wait3A_321 = arith.constant 256 : i32
    %dma_wait3A_322 = arith.constant 0 : i32
    %dma_wait3A_323 = tpu.memref_slice %arg6[%dma_wait3A_321, %dma_wait3A_322] : memref<512x128xf32, #tpu.memory_space<vmem>> -> memref<64x128xf32, #tpu.memory_space<vmem>>
    tpu.wait_dma2 semaphore(%arg9 : memref<!tpu.dma_semaphore, #tpu.memory_space<semaphore_mem>>) src(%dma_wait3A_323 : memref<64x128xf32, #tpu.memory_space<vmem>>) dst(%dma_wait3A_320 : memref<64x128xf32, #tpu.memory_space<hbm>>)
    %dma_wait3A_324 = arith.constant 320 : i32
    %dma_wait3A_325 = arith.constant 0 : i32
    %dma_wait3A_326 = tpu.memref_slice %arg6[%dma_wait3A_324, %dma_wait3A_325] : memref<512x128xf32, #tpu.memory_space<vmem>> -> memref<64x128xf32, #tpu.memory_space<vmem>>
    %dma_wait3A_327 = arith.constant 0 : i32
    %dma_wait3A_328 = tpu.memref_slice %arg4[%add3A_219, %dma_wait3A_327] : memref<16384x128xf32, #tpu.memory_space<hbm>> -> memref<64x128xf32, #tpu.memory_space<hbm>>
    %dma_wait3A_329 = arith.constant 0 : i32
    %dma_wait3A_330 = tpu.memref_slice %arg4[%add3A_219, %dma_wait3A_329] : memref<16384x128xf32, #tpu.memory_space<hbm>> -> memref<64x128xf32, #tpu.memory_space<hbm>>
    %dma_wait3A_331 = arith.constant 320 : i32
    %dma_wait3A_332 = arith.constant 0 : i32
    %dma_wait3A_333 = tpu.memref_slice %arg6[%dma_wait3A_331, %dma_wait3A_332] : memref<512x128xf32, #tpu.memory_space<vmem>> -> memref<64x128xf32, #tpu.memory_space<vmem>>
    tpu.wait_dma2 semaphore(%arg9 : memref<!tpu.dma_semaphore, #tpu.memory_space<semaphore_mem>>) src(%dma_wait3A_333 : memref<64x128xf32, #tpu.memory_space<vmem>>) dst(%dma_wait3A_330 : memref<64x128xf32, #tpu.memory_space<hbm>>)
    %dma_wait3A_334 = arith.constant 384 : i32
    %dma_wait3A_335 = arith.constant 0 : i32
    %dma_wait3A_336 = tpu.memref_slice %arg6[%dma_wait3A_334, %dma_wait3A_335] : memref<512x128xf32, #tpu.memory_space<vmem>> -> memref<64x128xf32, #tpu.memory_space<vmem>>
    %dma_wait3A_337 = arith.constant 0 : i32
    %dma_wait3A_338 = tpu.memref_slice %arg4[%add3A_241, %dma_wait3A_337] : memref<16384x128xf32, #tpu.memory_space<hbm>> -> memref<64x128xf32, #tpu.memory_space<hbm>>
    %dma_wait3A_339 = arith.constant 0 : i32
    %dma_wait3A_340 = tpu.memref_slice %arg4[%add3A_241, %dma_wait3A_339] : memref<16384x128xf32, #tpu.memory_space<hbm>> -> memref<64x128xf32, #tpu.memory_space<hbm>>
    %dma_wait3A_341 = arith.constant 384 : i32
    %dma_wait3A_342 = arith.constant 0 : i32
    %dma_wait3A_343 = tpu.memref_slice %arg6[%dma_wait3A_341, %dma_wait3A_342] : memref<512x128xf32, #tpu.memory_space<vmem>> -> memref<64x128xf32, #tpu.memory_space<vmem>>
    tpu.wait_dma2 semaphore(%arg9 : memref<!tpu.dma_semaphore, #tpu.memory_space<semaphore_mem>>) src(%dma_wait3A_343 : memref<64x128xf32, #tpu.memory_space<vmem>>) dst(%dma_wait3A_340 : memref<64x128xf32, #tpu.memory_space<hbm>>)
    %dma_wait3A_344 = arith.constant 448 : i32
    %dma_wait3A_345 = arith.constant 0 : i32
    %dma_wait3A_346 = tpu.memref_slice %arg6[%dma_wait3A_344, %dma_wait3A_345] : memref<512x128xf32, #tpu.memory_space<vmem>> -> memref<64x128xf32, #tpu.memory_space<vmem>>
    %dma_wait3A_347 = arith.constant 0 : i32
    %dma_wait3A_348 = tpu.memref_slice %arg4[%add3A_263, %dma_wait3A_347] : memref<16384x128xf32, #tpu.memory_space<hbm>> -> memref<64x128xf32, #tpu.memory_space<hbm>>
    %dma_wait3A_349 = arith.constant 0 : i32
    %dma_wait3A_350 = tpu.memref_slice %arg4[%add3A_263, %dma_wait3A_349] : memref<16384x128xf32, #tpu.memory_space<hbm>> -> memref<64x128xf32, #tpu.memory_space<hbm>>
    %dma_wait3A_351 = arith.constant 448 : i32
    %dma_wait3A_352 = arith.constant 0 : i32
    %dma_wait3A_353 = tpu.memref_slice %arg6[%dma_wait3A_351, %dma_wait3A_352] : memref<512x128xf32, #tpu.memory_space<vmem>> -> memref<64x128xf32, #tpu.memory_space<vmem>>
    tpu.wait_dma2 semaphore(%arg9 : memref<!tpu.dma_semaphore, #tpu.memory_space<semaphore_mem>>) src(%dma_wait3A_353 : memref<64x128xf32, #tpu.memory_space<vmem>>) dst(%dma_wait3A_350 : memref<64x128xf32, #tpu.memory_space<hbm>>)
    return
  }
}

</mosaic_0001>

<sc_bundles>
// kernel: kernel.3.cloned.1.call-start
scs
__scs_entry_jumppad:
0x0: {  	(pc) =	sbr.rel $0x88, $3  }
0x1: {  	(tag) =	ssettag $0x0;
	lr =	simm.s32 $0x1  }
0x2: {  	[smem:$0x3F9F] =	sst lr;
	_ =	strace $0xD0000000  }
0x3: {  	_ = 	snop  }
0x4: {  	_ = 	snop  }
0x5: {  	_ = 	snop  }
0x6: {  	_ = 	snop  }
0x7: {  	_ = 	snop  }
__scs_overlays_trampoline_lowered:
0x8: {  	[smem:$0x3FAE] =	sst s0  }
0x9: {  	[smem:$0x3FAF] =	sst s1  }
0xa: {  	[smem:$0x3FB0] =	sst s2  }
0xb: {  	[smem:$0x3FB1] =	sst s3  }
0xc: {  	[smem:$0x3FB2] =	sst s4  }
0xd: {  	[smem:$0x3FB3] =	sst s5  }
0xe: {  	[smem:$0x3FB4] =	sst s6  }
0xf: {  	[smem:$0x3FB5] =	sst s7  }
0x10: {  	[smem:$0x3FB6] =	sst s8  }
0x11: {  	[smem:$0x3FB7] =	sst s9;
	s0 =	simm.s32 @!p0 $0x0  }
0x12: {  	s1 =	sld [smem:$0x3F9D];
	s0 =	simm.s32 @p0 $0x1  }
0x13: {  	[smem:$0x3FB8] =	sst s0;
	s0 =	simm.s32 @!p1 $0x0  }
0x14: {  	s2 =	sld [smem:$0x3F9C];
	s0 =	simm.s32 @p1 $0x1  }
0x15: {  	[smem:$0x3FB9] =	sst s0;
	s0 =	simm.s32 @!p2 $0x0  }
0x16: {  	s3 =	sld [smem:$0x3FDB];
	s0 =	simm.s32 @p2 $0x1  }
0x17: {  	s4 =	simm.s32 $0x1BF5;
	[smem:$0x3FBB] =	sst s0  }
0x18: {  	s0 =	sld [smem:$0x3F9E];
	_ =	swait.ge [sflag:s4], $0x0  }
0x19: {  	s7 =	sld [smem:$0x3F9F]  }
0x1a: {  	s8 =	sadd.s32 $0xFFFFE003, lr  }
0x1b: {  	s9 =	sadd.s32 $0xFFFFFEF7, lr;
	s5 =	simm.s32 $0xFFFFFFFF;
	p2 =	slt.u32 s8, $0xFFFFF086  }
0x1c: {  	p1 =	slt.u32 s9, $0xF7A;
	s5 =	simm.s32 @!p2 $0x0  }
0x1d: {  	s5 =	simm.s32 @p1 $0x1;
	p0 =	seq.s32 s7, s2  }
0x1e: {  	s7 =	smul.u32 @!p0 $0xF7A, s2;
	p2 =	seq.s32 @!p0 s5, $0x0  }
0x1f: {  	s9 =	smul.u32 $0xF7A, s1;
	s8 =	simm.s32 @!p0 $0x1BF5;
	p2 =	por !p2, p0  }
0x20: {  	[sflag:s8] =	ssyncset.s32 @!p0 $0xFFFFF086;
	s6 =	sadd.s32 @!p0 s3, s7;
	s7 =	simm.s32 @!p0 $0x108  }
0x21: {  	s3 =	sadd.s32 s3, s9;
	s6 =	sadd.s32 @!p0 $0x88, s6;
	s7 =	simm.s32 @p2 $0x1082  }
0x22: {  	[simem:s7], [sflag:s8] =	dma.local @!p0 [hbm:s6], $0xF7A  }
0x23: {  	s9 =	sor.u32 $0xD0000000, s2;
	s6 =	simm.s32 $0x108;
	_ =	swait.ge @!p0 [sflag:s8], $0x0  }
0x24: {  	s3 =	sadd.s32 $0x88, s3;
	s6 =	simm.s32 @!p1 $0x1082;
	[sflag:s4] =	ssyncset.s32 $0xFFFFF086  }
0x25: {  	[simem:s6], [sflag:s4] =	dma.local [hbm:s3], $0xF7A  }
0x26: {  	[smem:$0x3F9F] =	sst s1;
	(tag) =	ssettag s2;
	_ =	strace s9  }
0x27: {  	s1 =	sld [smem:$0x3FAF]  }
0x28: {  	s2 =	sld [smem:$0x3FB0]  }
0x29: {  	s4 =	sld [smem:$0x3FB2]  }
0x2a: {  	p0 =	seq.s32 s5, $0x0;
	s5 =	sld [smem:$0x3FB3]  }
0x2b: {  	s6 =	sld [smem:$0x3FB4]  }
0x2c: {  	s7 =	sld [smem:$0x3FB5]  }
0x2d: {  	s3 =	simm.s32 $0x108;
	s8 =	sld [smem:$0x3FB6]  }
0x2e: {  	s3 =	simm.s32 @!p0 $0x1082;
	s9 =	sld [smem:$0x3FB7]  }
0x2f: {  	lr =	sadd.s32 s0, s3;
	s0 =	sld [smem:$0x3FAE]  }
0x30: {  	s3 =	sld [smem:$0x3FB1]  }
0x31: {  	[smem:$0x3FBA] =	sst s10  }
0x32: {  	s10 =	sld [smem:$0x3FB8];
	_ =	sdelay $0x3  }
0x33: {  	p0 =	seq.s32 s10, $0x1;
	s10 =	sld [smem:$0x3FBA];
	_ =	sdelay $0x3  }
0x34: {  	[smem:$0x3FBA] =	sst s10  }
0x35: {  	s10 =	sld [smem:$0x3FB9];
	_ =	sdelay $0x3  }
0x36: {  	p1 =	seq.s32 s10, $0x1;
	s10 =	sld [smem:$0x3FBA];
	_ =	sdelay $0x3  }
0x37: {  	[smem:$0x3FBA] =	sst s10  }
0x38: {  	s10 =	sld [smem:$0x3FBB]  }
0x39: {  	_ = 	snop;
	(pc) =	sbr.ind lr, $3  }
0x3a: {  	_ = 	snop  }
0x3b: {  	_ = 	snop  }
0x3c: {  	p2 =	seq.s32 s10, $0x1;
	s10 =	sld [smem:$0x3FBA]  }
0x3d: {  	_ =	shalt  }
0x3e: {  	_ =	shalt  }
0x3f: {  	_ =	shalt  }
0x40: {  	_ =	shalt  }
0x41: {  	_ =	shalt  }
0x42: {  	_ =	shalt  }
0x43: {  	_ =	shalt  }
0x44: {  	_ =	shalt  }
0x45: {  	_ =	shalt  }
0x46: {  	_ =	shalt  }
0x47: {  	_ =	shalt  }
0x48: {  	_ =	shalt  }
0x49: {  	_ =	shalt  }
0x4a: {  	_ =	shalt  }
0x4b: {  	_ =	shalt  }
0x4c: {  	_ =	shalt  }
0x4d: {  	_ =	shalt  }
0x4e: {  	_ =	shalt  }
0x4f: {  	_ =	shalt  }
0x50: {  	_ =	shalt  }
0x51: {  	_ =	shalt  }
0x52: {  	_ =	shalt  }
0x53: {  	_ =	shalt  }
0x54: {  	_ =	shalt  }
0x55: {  	_ =	shalt  }
0x56: {  	_ =	shalt  }
0x57: {  	_ =	shalt  }
0x58: {  	_ =	shalt  }
0x59: {  	_ =	shalt  }
0x5a: {  	_ =	shalt  }
0x5b: {  	_ =	shalt  }
0x5c: {  	_ =	shalt  }
0x5d: {  	_ =	shalt  }
0x5e: {  	_ =	shalt  }
0x5f: {  	_ =	shalt  }
0x60: {  	_ =	shalt  }
0x61: {  	_ =	shalt  }
0x62: {  	_ =	shalt  }
0x63: {  	_ =	shalt  }
0x64: {  	_ =	shalt  }
0x65: {  	_ =	shalt  }
0x66: {  	_ =	shalt  }
0x67: {  	_ =	shalt  }
0x68: {  	_ =	shalt  }
0x69: {  	_ =	shalt  }
0x6a: {  	_ =	shalt  }
0x6b: {  	_ =	shalt  }
0x6c: {  	_ =	shalt  }
0x6d: {  	_ =	shalt  }
0x6e: {  	_ =	shalt  }
0x6f: {  	_ =	shalt  }
0x70: {  	_ =	shalt  }
0x71: {  	_ =	shalt  }
0x72: {  	_ =	shalt  }
0x73: {  	_ =	shalt  }
0x74: {  	_ =	shalt  }
0x75: {  	_ =	shalt  }
0x76: {  	_ =	shalt  }
0x77: {  	_ =	shalt  }
0x78: {  	_ =	shalt  }
0x79: {  	_ =	shalt  }
0x7a: {  	_ =	shalt  }
0x7b: {  	_ =	shalt  }
0x7c: {  	_ =	shalt  }
0x7d: {  	_ =	shalt  }
0x7e: {  	_ =	shalt  }
0x7f: {  	_ =	shalt  }
0x80: {  	_ =	shalt  }
0x81: {  	_ =	shalt  }
0x82: {  	_ =	shalt  }
0x83: {  	_ =	shalt  }
0x84: {  	_ =	shalt  }
0x85: {  	_ =	shalt  }
0x86: {  	_ =	shalt  }
0x87: {  	_ =	shalt  }
.Lfunc_end0:
.L_simem_size_0:
called_computation_lowered:
.L_overlay_start_0:
0x88: {  	s2 =	sld [smem:$0x3FD9]  }
0x89: {  	s3 =	sld [smem:$0x3FFE];
	_ =	sdelay $0x1  }
0x8a: {  	s1 =	srdreg.scid  }
0x8b: {  	s0 =	sand.u32 $0x1, s1  }
0x8c: {  	s17 =	sshll.u32 s0, $0xA;
	s2 =	sadd.s32 s3, s2  }
0x8d: {  	s2 =	sadd.s32 s2, s17  }
0x8e: {  	[smem:$0x3FC6] =	sst s2  }
0x8f: {  	_ = 	snop  }
0x90: {  	s2 =	sld [smem:$0x3FC8]  }
0x91: {  	s18 =	sld [smem:$0x3FD0];
	(tm) =	ssettm $0x1  }
0x92: {  	s4 =	sld [smem:$0x3FFB];
	_ =	sdelay $0x3  }
0x93: {  	_ =	strace s4  }
0x94: {  	s4 =	sld [smem:$0x3FFC];
	_ =	sdelay $0x3  }
0x95: {  	_ =	strace s4  }
0x96: {  	s4 =	sld [smem:$0x3FFD];
	_ =	sdelay $0x3  }
0x97: {  	_ =	strace s4  }
0x98: {  	_ =	strace $0x8FFFFFFF  }
0x99: {  	s19 =	sld [smem:$0x3FDB];
	_ =	sdelay $0x1  }
0x9a: {  	s5 =	simm.s32 $_scs_section_size  }
0x9b: {  	s6 =	simm.s32 $_size__tile_overlayer_lowered;
	s7 =	simm.s32 $_tile_overlayer_lowered  }
0x9c: {  	s22 =	simm.s32 $0x1BFF;
	s21 =	sshll.u32 s7, $0x1;
	s4 =	sadd.s32 s5, s19  }
0x9d: {  	s8 =	simm.s32 $0x0;
	s20 =	sshll.u32 s6, $0x1;
	s6 =	sadd.s32 s21, s4  }
0x9e: {  	[timem:s8], [sflag:s22] =	dma.local [hbm:s6], s20  }
0x9f: {  	_ =	swait.ge [sflag:s22], s20  }
0xa0: {  	s5 =	ssub.s32 $0x0, s20;
	[sflag:s22] =	ssyncset.done $0x0  }
0xa1: {  	[sflag:s22] =	ssyncadd.s32 s5;
	_ =	sdelay $0x1  }
0xa2: {  	s23 =	simm.s32 $0x1B8B  }
0xa3: {  	_ =	swait.ge [sflag:s23], $0x1  }
0xa4: {  	[sflag:s23] =	ssyncset.done $0x0  }
0xa5: {  	s25 =	simm.s32 $0x1B8E;
	s24 =	sld [smem:$0x3FFE];
	[sflag:s23] =	ssyncadd.s32 $0xFFFFFFFF  }
0xa6: {  	s26 =	simm.s32 $execute0_lowered;
	[smem:$0x3FD2] =	sst s25  }
0xa7: {  	s6 =	sshll.u32 s26, $0x1;
	_ =	strace $0x80000046;
	[dreg:$0x1] =	wrdreg $0xFFFFFFFF  }
0xa8: {  	s28 =	simm.s32 $_size_execute0_lowered;
	s4 =	sadd.s32 s4, s6;
	[dreg:$0x0] =	wrdreg $0x0  }
0xa9: {  	s6 =	sshll.u32 s28, $0x1;
	[dreg:$0x2] =	wrdreg s4  }
0xaa: {  	[dreg:$0x3] =	wrdreg s6  }
0xab: {  	[dreg:$0x4] =	wrdreg $0xC0  }
0xac: {  	_ =	task [dreg:s8], $0x5FFFF  }
0xad: {  	[dreg:$0x1] =	wrdreg $0xFFFFFFFF  }
0xae: {  	[dreg:$0x0] =	wrdreg $0x60  }
0xaf: {  	[dreg:$0x2] =	wrdreg s24  }
0xb0: {  	[dreg:$0x3] =	wrdreg s2  }
0xb1: {  	[dreg:$0x4] =	wrdreg s18  }
0xb2: {  	[dreg:$0x5] =	wrdreg $0x104000  }
0xb3: {  	[dreg:$0x6] =	wrdreg $0x9  }
0xb4: {  	_ =	task.clear_ibuf [dreg:s8], $0x7FFFF;
	_ =	strace $0x90000046  }
0xb5: {  	s29 =	simm.s32 $0x9;
	_ =	strace $0x80000048  }
0xb6: {  	_ =	swait.ge [sflag:s29], $0x1  }
0xb7: {  	[sflag:s29] =	ssyncadd.s32 $0xFFFFFFFF  }
0xb8: {  	_ =	strace $0x90000048  }
0xb9: {  	_ =	sfence  }
0xba: {  	s30 =	sld [smem:$0x0];
	_ =	sdelay $0x2  }
0xbb: {  	s31 =	sshll.u32 s1, $0xD;
	s1 =	sshrl.u32 s1, $0x2  }
0xbc: {  	s3 =	sand.u32 $0x4000, s31;
	s1 =	sadd.s32 s1, s30  }
0xbd: {  	s0 =	sor.u32 s3, s0;
	s1 =	sshll.u32 s1, $0x11  }
0xbe: {  	s0 =	sor.u32 s1, s0  }
0xbf: {  	s0 =	sadd.s32 $0x8F2B, s0  }
0xc0: {  	[sflag:s0] =	ssyncadd.remote.s32 $0x1  }
0xc1: {  	_ =	sfence.sel $0xFFFF  }
0xc2: {  	[dreg:$0x0] =	wrdreg $0xFFFFFFFF;
	(pc) =	sbr.abs _section_cstart, $3  }
0xc3: {  	[dreg:$0x1] =	wrdreg $0xFFFFFFFF  }
0xc4: {  	_ =	task.clear_ibuf [dreg:s8], $0x2FFFF;
	_ =	strace $0x9FFFFFFF  }
0xc5: {  	(tm) =	ssettm $0x7FFFFFFF  }
tec
execute0_lowered:
.L_overlay_start_1:
0x0: {  	(tag) =	ssettag $0x1  }
0x1: {  	s1 =	rddreg [dreg:$0x0]  }
0x2: {  	s13 =	rddreg [dreg:$0x1];
	s0 =	srdreg.scid  }
0x3: {  	s2 =	stileid.u32;
	s5 =	rddreg [dreg:$0x2]  }
0x4: {  	s3 =	rddreg [dreg:$0x3];
	s26 =	simm.s32 $0x80;
	s0 =	sand.u32 $0x1, s0  }
0x5: {  	s4 =	sshll.u32 s2, $0x1;
	s15 =	sadd.s32 $0x3000, s13;
	s16 =	sadd.s32 $0x2000, s13  }
0x6: {  	p3 =	sgt.s32 s2, $0x1;
	s6 =	sor.u32 s0, s4;
	s4 =	simm.s32 $0x0  }
0x7: {  	s17 =	sadd.s32 $0x1000, s13;
	p1 =	seq.s32 @p3 s2, $0x2;
	[smem:$0x7FF] =	sst s4  }
0x8: {  	p4 =	seq.s32 @!p3 s2, $0x0;
	_ =	strace $0x80000047;
	[dreg:$0x6] =	wrdreg s15  }
0x9: {  	s7 =	sshll.u32 s6, $0x7;
	s6 =	sshll.u32 s6, $0xD;
	[dreg:$0x7] =	wrdreg s16  }
0xa: {  	p2 =	por p1, !p3;
	s1 =	sadd.s32 s7, s1;
	[dreg:$0x8] =	wrdreg s17  }
0xb: {  	s5 =	sadd.s32 s5, s6;
	[dreg:$0x14] =	wrdreg s26;
	s1 =	sadd.s32 $0x400, s1  }
0xc: {  	p0 =	por !p1, !p3;
	s18 =	sadd.s32 $0x400, s5;
	[dreg:$0x5] =	wrdreg s1  }
0xd: {  	p5 =	por p4, p3;
	s19 =	sadd.s32 $0x800, s5;
	[dreg:$0x9] =	wrdreg s18  }
0xe: {  	s6 =	sadd.s32 $0x18000, s3;
	s20 =	sadd.s32 $0xC00, s5;
	[dreg:$0xa] =	wrdreg s19  }
0xf: {  	s7 =	sadd.s32 $0x10000, s3;
	s21 =	sadd.s32 $0x1000, s5;
	[dreg:$0xb] =	wrdreg s20  }
0x10: {  	p2 =	seq.s32 @!p2 s2, $0x3;
	s22 =	sadd.s32 $0x1400, s5;
	[dreg:$0xc] =	wrdreg s21  }
0x11: {  	p5 =	seq.s32 @!p5 s2, $0x1;
	s23 =	sadd.s32 $0x1800, s5;
	[dreg:$0xd] =	wrdreg s22  }
0x12: {  	s24 =	sadd.s32 $0x1C00, s5;
	p1 =	por @p3 !p2, p1;
	[dreg:$0xe] =	wrdreg s23  }
0x13: {  	p2 =	por !p4, p3;
	[dreg:$0xf] =	wrdreg s24;
	s1 =	sshrl.u32 @!p0 s7, $0x3  }
0x14: {  	p4 =	por @!p3 !p5, p4;
	p1 =	por p1, !p3;
	[dreg:$0x11] =	wrdreg s1  }
0x15: {  	p3 =	por p4, p3;
	s1 =	sshrl.u32 @!p1 s6, $0x3;
	s25 =	rddreg [dreg:$0x5]  }
0x16: {  	s6 =	sadd.s32 $0x8000, s3;
	[dreg:$0x10] =	wrdreg s1;
	s1 =	sshrl.u32 @!p2 s3, $0x3  }
0x17: {  	[tilespmem:s4], [sflag:$0x3] =	stream.linear.gather [hbm4b:s25+s4], $0x400, $0x38;
	[tilespmem:$0x12348] =	vst v63  }
0x18: {  	[dreg:$0x13] =	wrdreg s1;
	s1 =	sshrl.u32 @!p3 s6, $0x3  }
0x19: {  	s6 =	simm.s32 $0x3;
	[dreg:$0x12] =	wrdreg s1  }
0x1a: {  	_ =	swait.ge [sflag:s6], $0x400  }
0x1b: {  	s2 =	simm.s32 @!p0 $0x1C83;
	s1 =	rddreg [dreg:$0x7];
	[sflag:s6] =	ssyncset.done $0x0  }
0x1c: {  	s8 =	simm.s32 @!p0 $0x3;
	s9 =	rddreg [dreg:$0x11];
	[sflag:s6] =	ssyncadd.s32 $0xFFFFFC00  }
0x1d: {  	[spmem:s9], [sflag:s2] =	dma.local @!p0 [hbm:s1], $0x1000  }
0x1e: {  	_ =	swait.ge @!p0 [sflag:s8], $0x1000  }
0x1f: {  	s10 =	simm.s32 @!p1 $0x3;
	s1 =	rddreg [dreg:$0x6];
	[sflag:s8] =	ssyncset.done @!p0 $0x0  }
0x20: {  	s2 =	simm.s32 @!p1 $0x1CC3;
	s11 =	rddreg [dreg:$0x10];
	[sflag:s8] =	ssyncadd.s32 @!p0 $0xFFFFF000  }
0x21: {  	[spmem:s11], [sflag:s2] =	dma.local @!p1 [hbm:s1], $0xE90  }
0x22: {  	_ =	swait.ge @!p1 [sflag:s10], $0xE90  }
0x23: {  	s12 =	simm.s32 @!p2 $0x3;
	[sflag:s10] =	ssyncset.done @!p1 $0x0  }
0x24: {  	s2 =	simm.s32 @!p2 $0x1C03;
	s1 =	rddreg [dreg:$0x13];
	[sflag:s10] =	ssyncadd.s32 @!p1 $0xFFFFF170  }
0x25: {  	[spmem:s1], [sflag:s2] =	dma.local @!p2 [hbm:s13], $0x1000  }
0x26: {  	s14 =	simm.s32 @!p3 $0x3;
	_ =	swait.ge @!p2 [sflag:s12], $0x1000  }
0x27: {  	s9 =	smov.u32 s13;
	s1 =	rddreg [dreg:$0x8];
	[sflag:s12] =	ssyncset.done @!p2 $0x0  }
0x28: {  	s13 =	simm.s32 @!p3 $0x1C43;
	s15 =	rddreg [dreg:$0x12];
	[sflag:s12] =	ssyncadd.s32 @!p2 $0xFFFFF000  }
0x29: {  	[spmem:s15], [sflag:s13] =	dma.local @!p3 [hbm:s1], $0x1000  }
0x2a: {  	_ =	swait.ge @!p3 [sflag:s14], $0x1000  }
0x2b: {  	[sflag:s14] =	ssyncset.done @!p3 $0x0  }
0x2c: {  	[sflag:s14] =	ssyncadd.s32 @!p3 $0xFFFFF000  }
0x2d: {  	s16 =	simm.s32 $0x400;
	s15 =	simm.s32 $0x40;
	[bflag:$0x0] =	sbarrier.arrive $0xFFFF  }
0x2e: {  	[tilespmem:s16], [sflag:$0x1] =	stream.indirect.gather [spmem:s3], $0x80, s4, s15, $0xb8;
	[tilespmem:$0x12348] =	vst v63  }
0x2f: {  	s17 =	simm.s32 $0x2400;
	s2 =	rddreg [dreg:$0x14]  }
0x30: {  	[tilespmem:s17], [sflag:$0x1] =	stream.indirect.gather [spmem:s3], $0x80, s2, s15, $0xb8;
	[tilespmem:$0x12348] =	vst v63  }
0x31: {  	s18 =	simm.s32 $0x100;
	s19 =	simm.s32 $0x4400  }
0x32: {  	[tilespmem:s19], [sflag:$0x1] =	stream.indirect.gather [spmem:s3], $0x80, s18, s15, $0xb8;
	[tilespmem:$0x12348] =	vst v63  }
0x33: {  	s20 =	simm.s32 $0x180;
	s21 =	simm.s32 $0x6400  }
0x34: {  	[tilespmem:s21], [sflag:$0x1] =	stream.indirect.gather [spmem:s3], $0x80, s20, s15, $0xb8;
	[tilespmem:$0x12348] =	vst v63  }
0x35: {  	s22 =	simm.s32 $0x200;
	s23 =	simm.s32 $0x8400  }
0x36: {  	[tilespmem:s23], [sflag:$0x1] =	stream.indirect.gather [spmem:s3], $0x80, s22, s15, $0xb8;
	[tilespmem:$0x12348] =	vst v63  }
0x37: {  	s24 =	simm.s32 $0x280;
	s25 =	simm.s32 $0xA400  }
0x38: {  	[tilespmem:s25], [sflag:$0x1] =	stream.indirect.gather [spmem:s3], $0x80, s24, s15, $0xb8;
	[tilespmem:$0x12348] =	vst v63  }
0x39: {  	s28 =	simm.s32 $0xC400;
	s26 =	simm.s32 $0x300  }
0x3a: {  	[tilespmem:s28], [sflag:$0x1] =	stream.indirect.gather [spmem:s3], $0x80, s26, s15, $0xb8;
	[tilespmem:$0x12348] =	vst v63  }
0x3b: {  	s29 =	simm.s32 $0x380;
	s30 =	simm.s32 $0xE400;
	s31 =	simm.s32 $0x1  }
0x3c: {  	[tilespmem:s30], [sflag:$0x1] =	stream.indirect.gather [spmem:s3], $0x80, s29, s15, $0xb8;
	[tilespmem:$0x12348] =	vst v63  }
0x3d: {  	_ =	swait.ge [sflag:s31], $0x2000  }
0x3e: {  	[sflag:s31] =	ssyncset.done $0x0  }
0x3f: {  	[sflag:s31] =	ssyncadd.s32 $0xFFFFE000  }
0x40: {  	[hbm4b:s5+s4] =	stream.linear.scatter [tilespmem:s16], [sflag:$0x2], $0x2000, $0x38;
	[tilespmem:$0x12348] =	vst v63  }
0x41: {  	_ =	swait.ge [sflag:s31], $0x2000  }
0x42: {  	[sflag:s31] =	ssyncset.done $0x0  }
0x43: {  	s7 =	rddreg [dreg:$0x9];
	[sflag:s31] =	ssyncadd.s32 $0xFFFFE000  }
0x44: {  	[hbm4b:s7+s4] =	stream.linear.scatter [tilespmem:s17], [sflag:$0x2], $0x2000, $0x38;
	[tilespmem:$0x12348] =	vst v63  }
0x45: {  	_ =	swait.ge [sflag:s31], $0x2000  }
0x46: {  	[sflag:s31] =	ssyncset.done $0x0  }
0x47: {  	s11 =	rddreg [dreg:$0xa];
	[sflag:s31] =	ssyncadd.s32 $0xFFFFE000  }
0x48: {  	[hbm4b:s11+s4] =	stream.linear.scatter [tilespmem:s19], [sflag:$0x2], $0x2000, $0x38;
	[tilespmem:$0x12348] =	vst v63  }
0x49: {  	_ =	swait.ge [sflag:s31], $0x2000  }
0x4a: {  	[sflag:s31] =	ssyncset.done $0x0  }
0x4b: {  	s2 =	rddreg [dreg:$0xb];
	[sflag:s31] =	ssyncadd.s32 $0xFFFFE000  }
0x4c: {  	[hbm4b:s2+s4] =	stream.linear.scatter [tilespmem:s21], [sflag:$0x2], $0x2000, $0x38;
	[tilespmem:$0x12348] =	vst v63  }
0x4d: {  	_ =	swait.ge [sflag:s31], $0x2000  }
0x4e: {  	[sflag:s31] =	ssyncset.done $0x0  }
0x4f: {  	s7 =	rddreg [dreg:$0xc];
	[sflag:s31] =	ssyncadd.s32 $0xFFFFE000  }
0x50: {  	[hbm4b:s7+s4] =	stream.linear.scatter [tilespmem:s23], [sflag:$0x2], $0x2000, $0x38;
	[tilespmem:$0x12348] =	vst v63  }
0x51: {  	_ =	swait.ge [sflag:s31], $0x2000  }
0x52: {  	[sflag:s31] =	ssyncset.done $0x0  }
0x53: {  	s11 =	rddreg [dreg:$0xd];
	[sflag:s31] =	ssyncadd.s32 $0xFFFFE000  }
0x54: {  	[hbm4b:s11+s4] =	stream.linear.scatter [tilespmem:s25], [sflag:$0x2], $0x2000, $0x38;
	[tilespmem:$0x12348] =	vst v63  }
0x55: {  	_ =	swait.ge [sflag:s31], $0x2000  }
0x56: {  	[sflag:s31] =	ssyncset.done $0x0  }
0x57: {  	s2 =	rddreg [dreg:$0xe];
	[sflag:s31] =	ssyncadd.s32 $0xFFFFE000  }
0x58: {  	[hbm4b:s2+s4] =	stream.linear.scatter [tilespmem:s28], [sflag:$0x2], $0x2000, $0x38;
	[tilespmem:$0x12348] =	vst v63  }
0x59: {  	_ =	swait.ge [sflag:s31], $0x2000  }
0x5a: {  	[sflag:s31] =	ssyncset.done $0x0  }
0x5b: {  	s1 =	simm.s32 $0x2;
	s7 =	rddreg [dreg:$0xf];
	[sflag:s31] =	ssyncadd.s32 $0xFFFFE000  }
0x5c: {  	[hbm4b:s7+s4] =	stream.linear.scatter [tilespmem:s30], [sflag:$0x2], $0x2000, $0x38;
	[tilespmem:$0x12348] =	vst v63  }
0x5d: {  	_ =	swait.ge [sflag:s1], $0x2000  }
0x5e: {  	[sflag:s1] =	ssyncset.done $0x0  }
0x5f: {  	[sflag:s1] =	ssyncadd.s32 $0xFFFFE000  }
0x60: {  	_ =	swait.ge [sflag:s1], $0x2000  }
0x61: {  	[sflag:s1] =	ssyncset.done $0x0  }
0x62: {  	[sflag:s1] =	ssyncadd.s32 $0xFFFFE000  }
0x63: {  	_ =	swait.ge [sflag:s1], $0x2000  }
0x64: {  	[sflag:s1] =	ssyncset.done $0x0  }
0x65: {  	[sflag:s1] =	ssyncadd.s32 $0xFFFFE000  }
0x66: {  	s11 =	ssub.s32 $0x2, s0;
	_ =	swait.ge [sflag:s1], $0x2000  }
0x67: {  	s0 =	sshrl.u32 s11, $0x1;
	[sflag:s1] =	ssyncset.done $0x0  }
0x68: {  	s0 =	ssub.s32 s11, s0;
	[sflag:s1] =	ssyncadd.s32 $0xFFFFE000  }
0x69: {  	s0 =	smax.u32 s0, $0x1;
	_ =	swait.ge [sflag:s1], $0x2000  }
0x6a: {  	s0 =	sadd.s32 $0xFFFFFFFF, s0;
	[sflag:s1] =	ssyncset.done $0x0  }
0x6b: {  	p4 =	sne.s32 s0, $0x0;
	[sflag:s1] =	ssyncadd.s32 $0xFFFFE000  }
.Ltmp0:
0x6c: {  	_ =	swait.ge [sflag:s1], $0x2000;
	(pc) =	sbr.rel @!p4 .LBB2_2-.Ltmp0, $4  }
0x6d: {  	[sflag:s1] =	ssyncset.done $0x0  }
0x6e: {  	[sflag:s1] =	ssyncadd.s32 $0xFFFFE000  }
0x6f: {  	_ =	swait.ge [sflag:s1], $0x2000  }
0x70: {  	[sflag:s1] =	ssyncset.done $0x0  }
.LBB2_1:
0x71: {  	[sflag:s1] =	ssyncadd.s32 $0xFFFFE000  }
0x72: {  	_ =	swait.ge [sflag:s1], $0x2000  }
0x73: {  	[sflag:s1] =	ssyncset.done $0x0  }
0x74: {  	s2 =	rddreg [dreg:$0x5];
	[sflag:s1] =	ssyncadd.s32 $0xFFFFE000  }
0x75: {  	[tilespmem:s4], [sflag:$0x3] =	stream.linear.gather [hbm4b:s2+s4], $0x400, $0x38;
	[tilespmem:$0x12348] =	vst v63  }
0x76: {  	_ =	swait.ge [sflag:s6], $0x400  }
0x77: {  	[sflag:s6] =	ssyncset.done $0x0;
	s2 =	rddreg [dreg:$0x7]  }
0x78: {  	s11 =	simm.s32 @!p0 $0x1C83;
	s7 =	rddreg [dreg:$0x11];
	[sflag:s6] =	ssyncadd.s32 $0xFFFFFC00  }
0x79: {  	[spmem:s7], [sflag:s11] =	dma.local @!p0 [hbm:s2], $0x1000  }
0x7a: {  	_ =	swait.ge @!p0 [sflag:s8], $0x1000  }
0x7b: {  	[sflag:s8] =	ssyncset.done @!p0 $0x0;
	s2 =	rddreg [dreg:$0x6]  }
0x7c: {  	s11 =	simm.s32 @!p1 $0x1CC3;
	s7 =	rddreg [dreg:$0x10];
	[sflag:s8] =	ssyncadd.s32 @!p0 $0xFFFFF000  }
0x7d: {  	[spmem:s7], [sflag:s11] =	dma.local @!p1 [hbm:s2], $0xE90  }
0x7e: {  	_ =	swait.ge @!p1 [sflag:s10], $0xE90  }
0x7f: {  	[sflag:s10] =	ssyncset.done @!p1 $0x0  }
0x80: {  	s7 =	simm.s32 @!p2 $0x1C03;
	s2 =	rddreg [dreg:$0x13];
	[sflag:s10] =	ssyncadd.s32 @!p1 $0xFFFFF170  }
0x81: {  	[spmem:s2], [sflag:s7] =	dma.local @!p2 [hbm:s9], $0x1000  }
0x82: {  	_ =	swait.ge @!p2 [sflag:s12], $0x1000  }
0x83: {  	[sflag:s12] =	ssyncset.done @!p2 $0x0;
	s2 =	rddreg [dreg:$0x8]  }
0x84: {  	s7 =	rddreg [dreg:$0x12];
	[sflag:s12] =	ssyncadd.s32 @!p2 $0xFFFFF000  }
0x85: {  	[spmem:s7], [sflag:s13] =	dma.local @!p3 [hbm:s2], $0x1000  }
0x86: {  	_ =	swait.ge @!p3 [sflag:s14], $0x1000  }
0x87: {  	[sflag:s14] =	ssyncset.done @!p3 $0x0  }
0x88: {  	[sflag:s14] =	ssyncadd.s32 @!p3 $0xFFFFF000  }
0x89: {  	[bflag:$0x0] =	sbarrier.arrive $0xFFFF  }
0x8a: {  	[tilespmem:s16], [sflag:$0x1] =	stream.indirect.gather [spmem:s3], $0x80, s4, s15, $0xb8;
	[tilespmem:$0x12348] =	vst v63  }
0x8b: {  	s7 =	rddreg [dreg:$0x14]  }
0x8c: {  	[tilespmem:s17], [sflag:$0x1] =	stream.indirect.gather [spmem:s3], $0x80, s7, s15, $0xb8;
	[tilespmem:$0x12348] =	vst v63  }
0x8d: {  	_ = 	snop  }
0x8e: {  	[tilespmem:s19], [sflag:$0x1] =	stream.indirect.gather [spmem:s3], $0x80, s18, s15, $0xb8;
	[tilespmem:$0x12348] =	vst v63  }
0x8f: {  	_ = 	snop  }
0x90: {  	[tilespmem:s21], [sflag:$0x1] =	stream.indirect.gather [spmem:s3], $0x80, s20, s15, $0xb8;
	[tilespmem:$0x12348] =	vst v63  }
0x91: {  	_ = 	snop  }
0x92: {  	[tilespmem:s23], [sflag:$0x1] =	stream.indirect.gather [spmem:s3], $0x80, s22, s15, $0xb8;
	[tilespmem:$0x12348] =	vst v63  }
0x93: {  	_ = 	snop  }
0x94: {  	[tilespmem:s25], [sflag:$0x1] =	stream.indirect.gather [spmem:s3], $0x80, s24, s15, $0xb8;
	[tilespmem:$0x12348] =	vst v63  }
0x95: {  	_ = 	snop  }
0x96: {  	[tilespmem:s28], [sflag:$0x1] =	stream.indirect.gather [spmem:s3], $0x80, s26, s15, $0xb8;
	[tilespmem:$0x12348] =	vst v63  }
0x97: {  	_ = 	snop  }
0x98: {  	[tilespmem:s30], [sflag:$0x1] =	stream.indirect.gather [spmem:s3], $0x80, s29, s15, $0xb8;
	[tilespmem:$0x12348] =	vst v63  }
0x99: {  	_ =	swait.ge [sflag:s31], $0x2000  }
0x9a: {  	[sflag:s31] =	ssyncset.done $0x0  }
0x9b: {  	[sflag:s31] =	ssyncadd.s32 $0xFFFFE000  }
0x9c: {  	[hbm4b:s5+s4] =	stream.linear.scatter [tilespmem:s16], [sflag:$0x2], $0x2000, $0x38;
	[tilespmem:$0x12348] =	vst v63  }
0x9d: {  	_ =	swait.ge [sflag:s31], $0x2000  }
0x9e: {  	[sflag:s31] =	ssyncset.done $0x0  }
0x9f: {  	s11 =	rddreg [dreg:$0x9];
	[sflag:s31] =	ssyncadd.s32 $0xFFFFE000  }
0xa0: {  	[hbm4b:s11+s4] =	stream.linear.scatter [tilespmem:s17], [sflag:$0x2], $0x2000, $0x38;
	[tilespmem:$0x12348] =	vst v63  }
0xa1: {  	_ =	swait.ge [sflag:s31], $0x2000  }
0xa2: {  	[sflag:s31] =	ssyncset.done $0x0  }
0xa3: {  	s7 =	rddreg [dreg:$0xa];
	[sflag:s31] =	ssyncadd.s32 $0xFFFFE000  }
0xa4: {  	[hbm4b:s7+s4] =	stream.linear.scatter [tilespmem:s19], [sflag:$0x2], $0x2000, $0x38;
	[tilespmem:$0x12348] =	vst v63  }
0xa5: {  	_ =	swait.ge [sflag:s31], $0x2000  }
0xa6: {  	[sflag:s31] =	ssyncset.done $0x0  }
0xa7: {  	s11 =	rddreg [dreg:$0xb];
	[sflag:s31] =	ssyncadd.s32 $0xFFFFE000  }
0xa8: {  	[hbm4b:s11+s4] =	stream.linear.scatter [tilespmem:s21], [sflag:$0x2], $0x2000, $0x38;
	[tilespmem:$0x12348] =	vst v63  }
0xa9: {  	_ =	swait.ge [sflag:s31], $0x2000  }
0xaa: {  	[sflag:s31] =	ssyncset.done $0x0  }
0xab: {  	s7 =	rddreg [dreg:$0xc];
	[sflag:s31] =	ssyncadd.s32 $0xFFFFE000  }
0xac: {  	[hbm4b:s7+s4] =	stream.linear.scatter [tilespmem:s23], [sflag:$0x2], $0x2000, $0x38;
	[tilespmem:$0x12348] =	vst v63  }
0xad: {  	_ =	swait.ge [sflag:s31], $0x2000  }
0xae: {  	[sflag:s31] =	ssyncset.done $0x0  }
0xaf: {  	s11 =	rddreg [dreg:$0xd];
	[sflag:s31] =	ssyncadd.s32 $0xFFFFE000  }
0xb0: {  	[hbm4b:s11+s4] =	stream.linear.scatter [tilespmem:s25], [sflag:$0x2], $0x2000, $0x38;
	[tilespmem:$0x12348] =	vst v63  }
0xb1: {  	_ =	swait.ge [sflag:s31], $0x2000  }
0xb2: {  	[sflag:s31] =	ssyncset.done $0x0  }
0xb3: {  	s7 =	rddreg [dreg:$0xe];
	[sflag:s31] =	ssyncadd.s32 $0xFFFFE000  }
0xb4: {  	[hbm4b:s7+s4] =	stream.linear.scatter [tilespmem:s28], [sflag:$0x2], $0x2000, $0x38;
	[tilespmem:$0x12348] =	vst v63  }
0xb5: {  	_ =	swait.ge [sflag:s31], $0x2000  }
0xb6: {  	[sflag:s31] =	ssyncset.done $0x0  }
0xb7: {  	s11 =	rddreg [dreg:$0xf];
	[sflag:s31] =	ssyncadd.s32 $0xFFFFE000  }
0xb8: {  	[hbm4b:s11+s4] =	stream.linear.scatter [tilespmem:s30], [sflag:$0x2], $0x2000, $0x38;
	[tilespmem:$0x12348] =	vst v63  }
0xb9: {  	_ =	swait.ge [sflag:s1], $0x2000  }
0xba: {  	[sflag:s1] =	ssyncset.done $0x0  }
0xbb: {  	[sflag:s1] =	ssyncadd.s32 $0xFFFFE000  }
0xbc: {  	_ =	swait.ge [sflag:s1], $0x2000  }
0xbd: {  	[sflag:s1] =	ssyncset.done $0x0  }
0xbe: {  	[sflag:s1] =	ssyncadd.s32 $0xFFFFE000  }
0xbf: {  	_ =	swait.ge [sflag:s1], $0x2000  }
0xc0: {  	[sflag:s1] =	ssyncset.done $0x0  }
0xc1: {  	[sflag:s1] =	ssyncadd.s32 $0xFFFFE000  }
0xc2: {  	_ =	swait.ge [sflag:s1], $0x2000  }
0xc3: {  	[sflag:s1] =	ssyncset.done $0x0  }
0xc4: {  	[sflag:s1] =	ssyncadd.s32 $0xFFFFE000  }
0xc5: {  	_ =	swait.ge [sflag:s1], $0x2000  }
0xc6: {  	s0 =	sadd.s32 $0xFFFFFFFF, s0;
	[sflag:s1] =	ssyncset.done $0x0  }
0xc7: {  	p4 =	sne.s32 s0, $0x0;
	[sflag:s1] =	ssyncadd.s32 $0xFFFFE000  }
.Ltmp1:
0xc8: {  	_ =	swait.ge [sflag:s1], $0x2000;
	(pc) =	sbr.rel @p4 .LBB2_1-.Ltmp1, $4  }
0xc9: {  	[sflag:s1] =	ssyncset.done $0x0  }
0xca: {  	[sflag:s1] =	ssyncadd.s32 $0xFFFFE000  }
0xcb: {  	_ =	swait.ge [sflag:s1], $0x2000  }
0xcc: {  	[sflag:s1] =	ssyncset.done $0x0  }
.LBB2_2:
0xcd: {  	[sflag:s1] =	ssyncadd.s32 $0xFFFFE000  }
0xce: {  	_ =	swait.ge [sflag:s1], $0x2000  }
0xcf: {  	[sflag:s1] =	ssyncset.done $0x0  }
0xd0: {  	[sflag:s1] =	ssyncadd.s32 $0xFFFFE000  }
0xd1: {  	_ =	sfence.sel $0x180000  }
0xd2: {  	[bflag:$0x0] =	sbarrier.arrive $0xFFFF  }
0xd3: {  	_ =	strace $0x90000047  }
0xd4: {  	s0 =	stileid.u32;
	[bflag:$0x2] =	sbarrier.arrive $0xFFFF  }
0xd5: {  	p0 =	sne.s32 s0, $0x0;
	s0 =	rddreg [dreg:$0x4]  }
0xd6: {  	s0 =	sadd.s32 @!p0 $0x100000, s0  }
0xd7: {  	[sflag:s0] =	ssyncadd.tile.s32 @!p0 $0x1;
	_ =	shalt  }
.Lfunc_end2:
_tile_overlayer_lowered:
.L_overlay_start_2:
0xd8: {  	(tag) =	ssettag $0x2  }
0xd9: {  	s0 =	rddreg [dreg:$0x0];
	s2 =	stileid.u32  }
0xda: {  	s1 =	rddreg [dreg:$0x1];
	p0 =	sne.s32 s2, $0x0  }
0xdb: {  	s3 =	rddreg [dreg:$0x2];
	[bflag:$0x3] =	sbarrier.arrive $0xFFFF;
	s2 =	simm.s32 @!p0 $0x1C03  }
0xdc: {  	[timem:s3], [sflag:s2] =	dma.local @!p0 [hbm:s0], s1  }
0xdd: {  	s0 =	simm.s32 @!p0 $0x3  }
0xde: {  	_ =	swait.ge @!p0 [sflag:s0], s1  }
0xdf: {  	s1 =	ssub.s32 @!p0 $0x0, s1;
	[sflag:s0] =	ssyncset.done @!p0 $0x0  }
0xe0: {  	[sflag:s0] =	ssyncadd.s32 @!p0 s1  }
0xe1: {  	[bflag:$0x3] =	sbarrier.arrive $0xFFFF  }
0xe2: {  	_ =	shalt  }

</sc_bundles>
